<compile_context>
chip_gen: v7x
topology: tpu7x:2x2x1
jax: 0.10.2.dev20260603
libtpu: 0.0.44.dev20260713+nightly
codegen_flags: <defaults>
</compile_context>

<pallas_src>
import functools

import jax
import jax.numpy as jnp
from jax import lax
from jax.experimental import pallas as pl
from jax.experimental.pallas import tpu as pltpu
from jax.experimental.pallas import tpu_sc as plsc

_LANES = 16
_CHUNK = 32


def _posenc_sc(embed1d, lut1d, *, rows, d, seq):
    info = plsc.get_sparse_core_info()
    nw = info.num_cores * info.num_subcores
    rows_per_w = rows // nw
    n_chunks = rows_per_w // _CHUNK
    chunk_elems = _CHUNK * d
    mesh = plsc.VectorSubcoreMesh(core_axis_name="c", subcore_axis_name="s")

    @functools.partial(
        pl.kernel,
        mesh=mesh,
        out_type=jax.ShapeDtypeStruct((rows * d,), jnp.float32),
        scratch_types=[
            pltpu.VMEM((chunk_elems,), jnp.float32),
            pltpu.VMEM((chunk_elems,), jnp.float32),
        ],
    )
    def k(embed_hbm, lut_hbm, out_hbm, buf, buf2):
        wid = lax.axis_index("s") * info.num_cores + lax.axis_index("c")
        base = wid * rows_per_w

        def chunk_body(c, carry):
            row0 = base + c * _CHUNK
            e0 = row0 * d
            s0 = lax.rem(row0, seq) * d
            pltpu.sync_copy(embed_hbm.at[pl.ds(e0, chunk_elems)], buf)
            pltpu.sync_copy(lut_hbm.at[pl.ds(s0, chunk_elems)], buf2)

            def row_body(r, carry2):
                off = r * d
                for cc in range(d // _LANES):
                    sl = pl.ds(off + cc * _LANES, _LANES)
                    buf[sl] = buf[sl] + buf2[sl]
                return carry2

            lax.fori_loop(0, _CHUNK, row_body, 0)
            pltpu.sync_copy(buf, out_hbm.at[pl.ds(e0, chunk_elems)])
            return carry

        lax.fori_loop(0, n_chunks, chunk_body, 0)

    return k(embed1d, lut1d)


def kernel(embed, learn_lut):
    B, S, D = embed.shape
    out1d = _posenc_sc(
        embed.reshape(-1), learn_lut[:S].reshape(-1), rows=B * S, d=D, seq=S
    )
    return out1d.reshape(B, S, D)

# --- scband reference (transcript-rebuilt; emitter-appended) ---
"""Pipeline reference for scband-learnable-positional-encoding-56375740727933 (READ-ONLY COPY).

The authoritative reference and input builder live on the scoring server;
editing this copy changes nothing except your own understanding.
"""

import jax, jax.numpy as jnp
import numpy as np

MODEL_DIM = 1024
MAX_LEN = 4096
BATCH = 4
SEQ_LEN = 4096

def setup_inputs(seed: int = 0) -> dict:
    key = jax.random.key(seed)
    k1, k2 = jax.random.split(key)
    embed = jax.random.normal(k1, (BATCH, SEQ_LEN, MODEL_DIM), dtype=jnp.float32)
    # learnable positional embedding table (nn.Embedding default init ~ N(0,1))
    learn_lut = jax.random.normal(k2, (MAX_LEN, MODEL_DIM), dtype=jnp.float32)
    return {"embed": embed, "learn_lut": learn_lut}

def reference(embed, learn_lut):
    batch_size = embed.shape[0]
    length = embed.shape[1]
    assert length <= MAX_LEN, 'length must <= max len'
    # position_input: [batch, len] of arange, then embedding lookup
    position_input = jnp.tile(jnp.arange(length)[None, :], (batch_size, 1))
    pos_embed = jnp.take(learn_lut, position_input, axis=0)  # [batch, len, model_dim]
    return embed + pos_embed

if __name__ == "__main__":
    import jax
    _d = setup_inputs()
    print(jax.jit(kernel)(*tuple(_d.values())))

</pallas_src>

<mosaic_0001>
#map = affine_map<(d0, d1) -> (0)>
module attributes {stable_mosaic.version = 14 : i64} {
  func.func @k(%arg0: i32, %arg1: i32, %arg2: memref<16777216xf32, #tpu.memory_space<hbm>>, %arg3: memref<4194304xf32, #tpu.memory_space<hbm>>, %arg4: memref<16777216xf32, #tpu.memory_space<hbm>>, %arg5: memref<32768xf32, #tpu.memory_space<vmem>>, %arg6: memref<32768xf32, #tpu.memory_space<vmem>>) attributes {dimension_semantics = [#tpu.dimension_semantics<core_parallel>, #tpu.dimension_semantics<subcore_parallel>], iteration_bounds = array<i64: 2, 16>, scalar_prefetch = 0 : i64, scratch_operands = 2 : i64, tpu.core_type = #tpu.core_type<sc_vector_subcore>, window_params = [{transform_indices = #map}, {transform_indices = #map}, {transform_indices = #map}]} {
    %mul3A = arith.constant 2 : i32
    %mul3A_0 = arith.muli %arg1, %mul3A : i32
    %add3A = arith.addi %mul3A_0, %arg0 : i32
    %mul3A_1 = arith.constant 512 : i32
    %mul3A_2 = arith.muli %add3A, %mul3A_1 : i32
    %scan3A = arith.constant 0 : i32
    %scan3A_3 = arith.constant 0 : i32
    %scan3A_4 = arith.constant 16 : i32
    %scan3A_5 = arith.addi %scan3A_3, %scan3A_4 : i32
    %scan3A_6 = arith.constant 1 : i32
    scf.for %scan3A_8 = %scan3A_3 to %scan3A_5 step %scan3A_6  : i32 {
      %mul3A_9 = arith.constant 32 : i32
      %mul3A_10 = arith.muli %scan3A_8, %mul3A_9 : i32
      %add3A_11 = arith.addi %mul3A_2, %mul3A_10 : i32
      %mul3A_12 = arith.constant 1024 : i32
      %mul3A_13 = arith.muli %add3A_11, %mul3A_12 : i32
      %rem3A = arith.constant 4096 : i32
      %rem3A_14 = arith.remsi %add3A_11, %rem3A : i32
      %mul3A_15 = arith.constant 1024 : i32
      %mul3A_16 = arith.muli %rem3A_14, %mul3A_15 : i32
      "tpu.region"() ({
        %run_scoped3A = tpu.sem_alloc : memref<!tpu.dma_semaphore, #tpu.memory_space<semaphore_mem>>
        %dma_start3A = tpu.memref_slice %arg2[%mul3A_13] : memref<16777216xf32, #tpu.memory_space<hbm>> -> memref<32768xf32, #tpu.memory_space<hbm>>
        %dma_start3A_23 = tpu.memref_slice %arg2[%mul3A_13] : memref<16777216xf32, #tpu.memory_space<hbm>> -> memref<32768xf32, #tpu.memory_space<hbm>>
        tpu.enqueue_dma source(%dma_start3A_23 : memref<32768xf32, #tpu.memory_space<hbm>>) target(%arg5 : memref<32768xf32, #tpu.memory_space<vmem>>) target_semaphore(%run_scoped3A : memref<!tpu.dma_semaphore, #tpu.memory_space<semaphore_mem>>)
        %dma_wait3A = tpu.memref_slice %arg2[%mul3A_13] : memref<16777216xf32, #tpu.memory_space<hbm>> -> memref<32768xf32, #tpu.memory_space<hbm>>
        %dma_wait3A_24 = tpu.memref_slice %arg2[%mul3A_13] : memref<16777216xf32, #tpu.memory_space<hbm>> -> memref<32768xf32, #tpu.memory_space<hbm>>
        tpu.wait_dma2 semaphore(%run_scoped3A : memref<!tpu.dma_semaphore, #tpu.memory_space<semaphore_mem>>) src(%dma_wait3A_24 : memref<32768xf32, #tpu.memory_space<hbm>>) dst(%arg5 : memref<32768xf32, #tpu.memory_space<vmem>>)
        tpu.yield
      }) : () -> ()
      "tpu.region"() ({
        %run_scoped3A = tpu.sem_alloc : memref<!tpu.dma_semaphore, #tpu.memory_space<semaphore_mem>>
        %dma_start3A = tpu.memref_slice %arg3[%mul3A_16] : memref<4194304xf32, #tpu.memory_space<hbm>> -> memref<32768xf32, #tpu.memory_space<hbm>>
        %dma_start3A_23 = tpu.memref_slice %arg3[%mul3A_16] : memref<4194304xf32, #tpu.memory_space<hbm>> -> memref<32768xf32, #tpu.memory_space<hbm>>
        tpu.enqueue_dma source(%dma_start3A_23 : memref<32768xf32, #tpu.memory_space<hbm>>) target(%arg6 : memref<32768xf32, #tpu.memory_space<vmem>>) target_semaphore(%run_scoped3A : memref<!tpu.dma_semaphore, #tpu.memory_space<semaphore_mem>>)
        %dma_wait3A = tpu.memref_slice %arg3[%mul3A_16] : memref<4194304xf32, #tpu.memory_space<hbm>> -> memref<32768xf32, #tpu.memory_space<hbm>>
        %dma_wait3A_24 = tpu.memref_slice %arg3[%mul3A_16] : memref<4194304xf32, #tpu.memory_space<hbm>> -> memref<32768xf32, #tpu.memory_space<hbm>>
        tpu.wait_dma2 semaphore(%run_scoped3A : memref<!tpu.dma_semaphore, #tpu.memory_space<semaphore_mem>>) src(%dma_wait3A_24 : memref<32768xf32, #tpu.memory_space<hbm>>) dst(%arg6 : memref<32768xf32, #tpu.memory_space<vmem>>)
        tpu.yield
      }) : () -> ()
      %scan3A_17 = arith.constant 0 : i32
      %scan3A_18 = arith.constant 0 : i32
      %scan3A_19 = arith.constant 32 : i32
      %scan3A_20 = arith.addi %scan3A_18, %scan3A_19 : i32
      %scan3A_21 = arith.constant 1 : i32
      scf.for %scan3A_23 = %scan3A_18 to %scan3A_20 step %scan3A_21  : i32 {
        %mul3A_24 = arith.constant 1024 : i32
        %mul3A_25 = arith.muli %scan3A_23, %mul3A_24 : i32
        %add3A_26 = arith.constant 0 : i32
        %add3A_27 = arith.addi %mul3A_25, %add3A_26 : i32
        %get3A = arith.index_cast %add3A_27 : i32 to index
        %get3A_28 = tpu.vector_load %arg5[%get3A] {strides = array<i32>} : memref<32768xf32, #tpu.memory_space<vmem>>, vector<16xf32>,
        %get3A_29 = vector.shape_cast %get3A_28 : vector<16xf32> to vector<16xf32>
        %get3A_30 = arith.index_cast %add3A_27 : i32 to index
        %get3A_31 = tpu.vector_load %arg6[%get3A_30] {strides = array<i32>} : memref<32768xf32, #tpu.memory_space<vmem>>, vector<16xf32>,
        %get3A_32 = vector.shape_cast %get3A_31 : vector<16xf32> to vector<16xf32>
        %add3A_33 = arith.addf %get3A_29, %get3A_32 : vector<16xf32>
        %swap3A = arith.index_cast %add3A_27 : i32 to index
        %swap3A_34 = tpu.vector_load %arg5[%swap3A] {strides = array<i32>} : memref<32768xf32, #tpu.memory_space<vmem>>, vector<16xf32>,
        %swap3A_35 = vector.shape_cast %swap3A_34 : vector<16xf32> to vector<16xf32>
        %swap3A_36 = vector.shape_cast %add3A_33 : vector<16xf32> to vector<16xf32>
        tpu.vector_store %arg5[%swap3A], %swap3A_36 {strides = array<i32>} : memref<32768xf32, #tpu.memory_space<vmem>>, vector<16xf32>,
        %add3A_37 = arith.constant 16 : i32
        %add3A_38 = arith.addi %mul3A_25, %add3A_37 : i32
        %get3A_39 = arith.index_cast %add3A_38 : i32 to index
        %get3A_40 = tpu.vector_load %arg5[%get3A_39] {strides = array<i32>} : memref<32768xf32, #tpu.memory_space<vmem>>, vector<16xf32>,
        %get3A_41 = vector.shape_cast %get3A_40 : vector<16xf32> to vector<16xf32>
        %get3A_42 = arith.index_cast %add3A_38 : i32 to index
        %get3A_43 = tpu.vector_load %arg6[%get3A_42] {strides = array<i32>} : memref<32768xf32, #tpu.memory_space<vmem>>, vector<16xf32>,
        %get3A_44 = vector.shape_cast %get3A_43 : vector<16xf32> to vector<16xf32>
        %add3A_45 = arith.addf %get3A_41, %get3A_44 : vector<16xf32>
        %swap3A_46 = arith.index_cast %add3A_38 : i32 to index
        %swap3A_47 = tpu.vector_load %arg5[%swap3A_46] {strides = array<i32>} : memref<32768xf32, #tpu.memory_space<vmem>>, vector<16xf32>,
        %swap3A_48 = vector.shape_cast %swap3A_47 : vector<16xf32> to vector<16xf32>
        %swap3A_49 = vector.shape_cast %add3A_45 : vector<16xf32> to vector<16xf32>
        tpu.vector_store %arg5[%swap3A_46], %swap3A_49 {strides = array<i32>} : memref<32768xf32, #tpu.memory_space<vmem>>, vector<16xf32>,
        %add3A_50 = arith.constant 32 : i32
        %add3A_51 = arith.addi %mul3A_25, %add3A_50 : i32
        %get3A_52 = arith.index_cast %add3A_51 : i32 to index
        %get3A_53 = tpu.vector_load %arg5[%get3A_52] {strides = array<i32>} : memref<32768xf32, #tpu.memory_space<vmem>>, vector<16xf32>,
        %get3A_54 = vector.shape_cast %get3A_53 : vector<16xf32> to vector<16xf32>
        %get3A_55 = arith.index_cast %add3A_51 : i32 to index
        %get3A_56 = tpu.vector_load %arg6[%get3A_55] {strides = array<i32>} : memref<32768xf32, #tpu.memory_space<vmem>>, vector<16xf32>,
        %get3A_57 = vector.shape_cast %get3A_56 : vector<16xf32> to vector<16xf32>
        %add3A_58 = arith.addf %get3A_54, %get3A_57 : vector<16xf32>
        %swap3A_59 = arith.index_cast %add3A_51 : i32 to index
        %swap3A_60 = tpu.vector_load %arg5[%swap3A_59] {strides = array<i32>} : memref<32768xf32, #tpu.memory_space<vmem>>, vector<16xf32>,
        %swap3A_61 = vector.shape_cast %swap3A_60 : vector<16xf32> to vector<16xf32>
        %swap3A_62 = vector.shape_cast %add3A_58 : vector<16xf32> to vector<16xf32>
        tpu.vector_store %arg5[%swap3A_59], %swap3A_62 {strides = array<i32>} : memref<32768xf32, #tpu.memory_space<vmem>>, vector<16xf32>,
        %add3A_63 = arith.constant 48 : i32
        %add3A_64 = arith.addi %mul3A_25, %add3A_63 : i32
        %get3A_65 = arith.index_cast %add3A_64 : i32 to index
        %get3A_66 = tpu.vector_load %arg5[%get3A_65] {strides = array<i32>} : memref<32768xf32, #tpu.memory_space<vmem>>, vector<16xf32>,
        %get3A_67 = vector.shape_cast %get3A_66 : vector<16xf32> to vector<16xf32>
        %get3A_68 = arith.index_cast %add3A_64 : i32 to index
        %get3A_69 = tpu.vector_load %arg6[%get3A_68] {strides = array<i32>} : memref<32768xf32, #tpu.memory_space<vmem>>, vector<16xf32>,
        %get3A_70 = vector.shape_cast %get3A_69 : vector<16xf32> to vector<16xf32>
        %add3A_71 = arith.addf %get3A_67, %get3A_70 : vector<16xf32>
        %swap3A_72 = arith.index_cast %add3A_64 : i32 to index
        %swap3A_73 = tpu.vector_load %arg5[%swap3A_72] {strides = array<i32>} : memref<32768xf32, #tpu.memory_space<vmem>>, vector<16xf32>,
        %swap3A_74 = vector.shape_cast %swap3A_73 : vector<16xf32> to vector<16xf32>
        %swap3A_75 = vector.shape_cast %add3A_71 : vector<16xf32> to vector<16xf32>
        tpu.vector_store %arg5[%swap3A_72], %swap3A_75 {strides = array<i32>} : memref<32768xf32, #tpu.memory_space<vmem>>, vector<16xf32>,
        %add3A_76 = arith.constant 64 : i32
        %add3A_77 = arith.addi %mul3A_25, %add3A_76 : i32
        %get3A_78 = arith.index_cast %add3A_77 : i32 to index
        %get3A_79 = tpu.vector_load %arg5[%get3A_78] {strides = array<i32>} : memref<32768xf32, #tpu.memory_space<vmem>>, vector<16xf32>,
        %get3A_80 = vector.shape_cast %get3A_79 : vector<16xf32> to vector<16xf32>
        %get3A_81 = arith.index_cast %add3A_77 : i32 to index
        %get3A_82 = tpu.vector_load %arg6[%get3A_81] {strides = array<i32>} : memref<32768xf32, #tpu.memory_space<vmem>>, vector<16xf32>,
        %get3A_83 = vector.shape_cast %get3A_82 : vector<16xf32> to vector<16xf32>
        %add3A_84 = arith.addf %get3A_80, %get3A_83 : vector<16xf32>
        %swap3A_85 = arith.index_cast %add3A_77 : i32 to index
        %swap3A_86 = tpu.vector_load %arg5[%swap3A_85] {strides = array<i32>} : memref<32768xf32, #tpu.memory_space<vmem>>, vector<16xf32>,
        %swap3A_87 = vector.shape_cast %swap3A_86 : vector<16xf32> to vector<16xf32>
        %swap3A_88 = vector.shape_cast %add3A_84 : vector<16xf32> to vector<16xf32>
        tpu.vector_store %arg5[%swap3A_85], %swap3A_88 {strides = array<i32>} : memref<32768xf32, #tpu.memory_space<vmem>>, vector<16xf32>,
        %add3A_89 = arith.constant 80 : i32
        %add3A_90 = arith.addi %mul3A_25, %add3A_89 : i32
        %get3A_91 = arith.index_cast %add3A_90 : i32 to index
        %get3A_92 = tpu.vector_load %arg5[%get3A_91] {strides = array<i32>} : memref<32768xf32, #tpu.memory_space<vmem>>, vector<16xf32>,
        %get3A_93 = vector.shape_cast %get3A_92 : vector<16xf32> to vector<16xf32>
        %get3A_94 = arith.index_cast %add3A_90 : i32 to index
        %get3A_95 = tpu.vector_load %arg6[%get3A_94] {strides = array<i32>} : memref<32768xf32, #tpu.memory_space<vmem>>, vector<16xf32>,
        %get3A_96 = vector.shape_cast %get3A_95 : vector<16xf32> to vector<16xf32>
        %add3A_97 = arith.addf %get3A_93, %get3A_96 : vector<16xf32>
        %swap3A_98 = arith.index_cast %add3A_90 : i32 to index
        %swap3A_99 = tpu.vector_load %arg5[%swap3A_98] {strides = array<i32>} : memref<32768xf32, #tpu.memory_space<vmem>>, vector<16xf32>,
        %swap3A_100 = vector.shape_cast %swap3A_99 : vector<16xf32> to vector<16xf32>
        %swap3A_101 = vector.shape_cast %add3A_97 : vector<16xf32> to vector<16xf32>
        tpu.vector_store %arg5[%swap3A_98], %swap3A_101 {strides = array<i32>} : memref<32768xf32, #tpu.memory_space<vmem>>, vector<16xf32>,
        %add3A_102 = arith.constant 96 : i32
        %add3A_103 = arith.addi %mul3A_25, %add3A_102 : i32
        %get3A_104 = arith.index_cast %add3A_103 : i32 to index
        %get3A_105 = tpu.vector_load %arg5[%get3A_104] {strides = array<i32>} : memref<32768xf32, #tpu.memory_space<vmem>>, vector<16xf32>,
        %get3A_106 = vector.shape_cast %get3A_105 : vector<16xf32> to vector<16xf32>
        %get3A_107 = arith.index_cast %add3A_103 : i32 to index
        %get3A_108 = tpu.vector_load %arg6[%get3A_107] {strides = array<i32>} : memref<32768xf32, #tpu.memory_space<vmem>>, vector<16xf32>,
        %get3A_109 = vector.shape_cast %get3A_108 : vector<16xf32> to vector<16xf32>
        %add3A_110 = arith.addf %get3A_106, %get3A_109 : vector<16xf32>
        %swap3A_111 = arith.index_cast %add3A_103 : i32 to index
        %swap3A_112 = tpu.vector_load %arg5[%swap3A_111] {strides = array<i32>} : memref<32768xf32, #tpu.memory_space<vmem>>, vector<16xf32>,
        %swap3A_113 = vector.shape_cast %swap3A_112 : vector<16xf32> to vector<16xf32>
        %swap3A_114 = vector.shape_cast %add3A_110 : vector<16xf32> to vector<16xf32>
        tpu.vector_store %arg5[%swap3A_111], %swap3A_114 {strides = array<i32>} : memref<32768xf32, #tpu.memory_space<vmem>>, vector<16xf32>,
        %add3A_115 = arith.constant 112 : i32
        %add3A_116 = arith.addi %mul3A_25, %add3A_115 : i32
        %get3A_117 = arith.index_cast %add3A_116 : i32 to index
        %get3A_118 = tpu.vector_load %arg5[%get3A_117] {strides = array<i32>} : memref<32768xf32, #tpu.memory_space<vmem>>, vector<16xf32>,
        %get3A_119 = vector.shape_cast %get3A_118 : vector<16xf32> to vector<16xf32>
        %get3A_120 = arith.index_cast %add3A_116 : i32 to index
        %get3A_121 = tpu.vector_load %arg6[%get3A_120] {strides = array<i32>} : memref<32768xf32, #tpu.memory_space<vmem>>, vector<16xf32>,
        %get3A_122 = vector.shape_cast %get3A_121 : vector<16xf32> to vector<16xf32>
        %add3A_123 = arith.addf %get3A_119, %get3A_122 : vector<16xf32>
        %swap3A_124 = arith.index_cast %add3A_116 : i32 to index
        %swap3A_125 = tpu.vector_load %arg5[%swap3A_124] {strides = array<i32>} : memref<32768xf32, #tpu.memory_space<vmem>>, vector<16xf32>,
        %swap3A_126 = vector.shape_cast %swap3A_125 : vector<16xf32> to vector<16xf32>
        %swap3A_127 = vector.shape_cast %add3A_123 : vector<16xf32> to vector<16xf32>
        tpu.vector_store %arg5[%swap3A_124], %swap3A_127 {strides = array<i32>} : memref<32768xf32, #tpu.memory_space<vmem>>, vector<16xf32>,
        %add3A_128 = arith.constant 128 : i32
        %add3A_129 = arith.addi %mul3A_25, %add3A_128 : i32
        %get3A_130 = arith.index_cast %add3A_129 : i32 to index
        %get3A_131 = tpu.vector_load %arg5[%get3A_130] {strides = array<i32>} : memref<32768xf32, #tpu.memory_space<vmem>>, vector<16xf32>,
        %get3A_132 = vector.shape_cast %get3A_131 : vector<16xf32> to vector<16xf32>
        %get3A_133 = arith.index_cast %add3A_129 : i32 to index
        %get3A_134 = tpu.vector_load %arg6[%get3A_133] {strides = array<i32>} : memref<32768xf32, #tpu.memory_space<vmem>>, vector<16xf32>,
        %get3A_135 = vector.shape_cast %get3A_134 : vector<16xf32> to vector<16xf32>
        %add3A_136 = arith.addf %get3A_132, %get3A_135 : vector<16xf32>
        %swap3A_137 = arith.index_cast %add3A_129 : i32 to index
        %swap3A_138 = tpu.vector_load %arg5[%swap3A_137] {strides = array<i32>} : memref<32768xf32, #tpu.memory_space<vmem>>, vector<16xf32>,
        %swap3A_139 = vector.shape_cast %swap3A_138 : vector<16xf32> to vector<16xf32>
        %swap3A_140 = vector.shape_cast %add3A_136 : vector<16xf32> to vector<16xf32>
        tpu.vector_store %arg5[%swap3A_137], %swap3A_140 {strides = array<i32>} : memref<32768xf32, #tpu.memory_space<vmem>>, vector<16xf32>,
        %add3A_141 = arith.constant 144 : i32
        %add3A_142 = arith.addi %mul3A_25, %add3A_141 : i32
        %get3A_143 = arith.index_cast %add3A_142 : i32 to index
        %get3A_144 = tpu.vector_load %arg5[%get3A_143] {strides = array<i32>} : memref<32768xf32, #tpu.memory_space<vmem>>, vector<16xf32>,
        %get3A_145 = vector.shape_cast %get3A_144 : vector<16xf32> to vector<16xf32>
        %get3A_146 = arith.index_cast %add3A_142 : i32 to index
        %get3A_147 = tpu.vector_load %arg6[%get3A_146] {strides = array<i32>} : memref<32768xf32, #tpu.memory_space<vmem>>, vector<16xf32>,
        %get3A_148 = vector.shape_cast %get3A_147 : vector<16xf32> to vector<16xf32>
        %add3A_149 = arith.addf %get3A_145, %get3A_148 : vector<16xf32>
        %swap3A_150 = arith.index_cast %add3A_142 : i32 to index
        %swap3A_151 = tpu.vector_load %arg5[%swap3A_150] {strides = array<i32>} : memref<32768xf32, #tpu.memory_space<vmem>>, vector<16xf32>,
        %swap3A_152 = vector.shape_cast %swap3A_151 : vector<16xf32> to vector<16xf32>
        %swap3A_153 = vector.shape_cast %add3A_149 : vector<16xf32> to vector<16xf32>
        tpu.vector_store %arg5[%swap3A_150], %swap3A_153 {strides = array<i32>} : memref<32768xf32, #tpu.memory_space<vmem>>, vector<16xf32>,
        %add3A_154 = arith.constant 160 : i32
        %add3A_155 = arith.addi %mul3A_25, %add3A_154 : i32
        %get3A_156 = arith.index_cast %add3A_155 : i32 to index
        %get3A_157 = tpu.vector_load %arg5[%get3A_156] {strides = array<i32>} : memref<32768xf32, #tpu.memory_space<vmem>>, vector<16xf32>,
        %get3A_158 = vector.shape_cast %get3A_157 : vector<16xf32> to vector<16xf32>
        %get3A_159 = arith.index_cast %add3A_155 : i32 to index
        %get3A_160 = tpu.vector_load %arg6[%get3A_159] {strides = array<i32>} : memref<32768xf32, #tpu.memory_space<vmem>>, vector<16xf32>,
        %get3A_161 = vector.shape_cast %get3A_160 : vector<16xf32> to vector<16xf32>
        %add3A_162 = arith.addf %get3A_158, %get3A_161 : vector<16xf32>
        %swap3A_163 = arith.index_cast %add3A_155 : i32 to index
        %swap3A_164 = tpu.vector_load %arg5[%swap3A_163] {strides = array<i32>} : memref<32768xf32, #tpu.memory_space<vmem>>, vector<16xf32>,
        %swap3A_165 = vector.shape_cast %swap3A_164 : vector<16xf32> to vector<16xf32>
        %swap3A_166 = vector.shape_cast %add3A_162 : vector<16xf32> to vector<16xf32>
        tpu.vector_store %arg5[%swap3A_163], %swap3A_166 {strides = array<i32>} : memref<32768xf32, #tpu.memory_space<vmem>>, vector<16xf32>,
        %add3A_167 = arith.constant 176 : i32
        %add3A_168 = arith.addi %mul3A_25, %add3A_167 : i32
        %get3A_169 = arith.index_cast %add3A_168 : i32 to index
        %get3A_170 = tpu.vector_load %arg5[%get3A_169] {strides = array<i32>} : memref<32768xf32, #tpu.memory_space<vmem>>, vector<16xf32>,
        %get3A_171 = vector.shape_cast %get3A_170 : vector<16xf32> to vector<16xf32>
        %get3A_172 = arith.index_cast %add3A_168 : i32 to index
        %get3A_173 = tpu.vector_load %arg6[%get3A_172] {strides = array<i32>} : memref<32768xf32, #tpu.memory_space<vmem>>, vector<16xf32>,
        %get3A_174 = vector.shape_cast %get3A_173 : vector<16xf32> to vector<16xf32>
        %add3A_175 = arith.addf %get3A_171, %get3A_174 : vector<16xf32>
        %swap3A_176 = arith.index_cast %add3A_168 : i32 to index
        %swap3A_177 = tpu.vector_load %arg5[%swap3A_176] {strides = array<i32>} : memref<32768xf32, #tpu.memory_space<vmem>>, vector<16xf32>,
        %swap3A_178 = vector.shape_cast %swap3A_177 : vector<16xf32> to vector<16xf32>
        %swap3A_179 = vector.shape_cast %add3A_175 : vector<16xf32> to vector<16xf32>
        tpu.vector_store %arg5[%swap3A_176], %swap3A_179 {strides = array<i32>} : memref<32768xf32, #tpu.memory_space<vmem>>, vector<16xf32>,
        %add3A_180 = arith.constant 192 : i32
        %add3A_181 = arith.addi %mul3A_25, %add3A_180 : i32
        %get3A_182 = arith.index_cast %add3A_181 : i32 to index
        %get3A_183 = tpu.vector_load %arg5[%get3A_182] {strides = array<i32>} : memref<32768xf32, #tpu.memory_space<vmem>>, vector<16xf32>,
        %get3A_184 = vector.shape_cast %get3A_183 : vector<16xf32> to vector<16xf32>
        %get3A_185 = arith.index_cast %add3A_181 : i32 to index
        %get3A_186 = tpu.vector_load %arg6[%get3A_185] {strides = array<i32>} : memref<32768xf32, #tpu.memory_space<vmem>>, vector<16xf32>,
        %get3A_187 = vector.shape_cast %get3A_186 : vector<16xf32> to vector<16xf32>
        %add3A_188 = arith.addf %get3A_184, %get3A_187 : vector<16xf32>
        %swap3A_189 = arith.index_cast %add3A_181 : i32 to index
        %swap3A_190 = tpu.vector_load %arg5[%swap3A_189] {strides = array<i32>} : memref<32768xf32, #tpu.memory_space<vmem>>, vector<16xf32>,
        %swap3A_191 = vector.shape_cast %swap3A_190 : vector<16xf32> to vector<16xf32>
        %swap3A_192 = vector.shape_cast %add3A_188 : vector<16xf32> to vector<16xf32>
        tpu.vector_store %arg5[%swap3A_189], %swap3A_192 {strides = array<i32>} : memref<32768xf32, #tpu.memory_space<vmem>>, vector<16xf32>,
        %add3A_193 = arith.constant 208 : i32
        %add3A_194 = arith.addi %mul3A_25, %add3A_193 : i32
        %get3A_195 = arith.index_cast %add3A_194 : i32 to index
        %get3A_196 = tpu.vector_load %arg5[%get3A_195] {strides = array<i32>} : memref<32768xf32, #tpu.memory_space<vmem>>, vector<16xf32>,
        %get3A_197 = vector.shape_cast %get3A_196 : vector<16xf32> to vector<16xf32>
        %get3A_198 = arith.index_cast %add3A_194 : i32 to index
        %get3A_199 = tpu.vector_load %arg6[%get3A_198] {strides = array<i32>} : memref<32768xf32, #tpu.memory_space<vmem>>, vector<16xf32>,
        %get3A_200 = vector.shape_cast %get3A_199 : vector<16xf32> to vector<16xf32>
        %add3A_201 = arith.addf %get3A_197, %get3A_200 : vector<16xf32>
        %swap3A_202 = arith.index_cast %add3A_194 : i32 to index
        %swap3A_203 = tpu.vector_load %arg5[%swap3A_202] {strides = array<i32>} : memref<32768xf32, #tpu.memory_space<vmem>>, vector<16xf32>,
        %swap3A_204 = vector.shape_cast %swap3A_203 : vector<16xf32> to vector<16xf32>
        %swap3A_205 = vector.shape_cast %add3A_201 : vector<16xf32> to vector<16xf32>
        tpu.vector_store %arg5[%swap3A_202], %swap3A_205 {strides = array<i32>} : memref<32768xf32, #tpu.memory_space<vmem>>, vector<16xf32>,
        %add3A_206 = arith.constant 224 : i32
        %add3A_207 = arith.addi %mul3A_25, %add3A_206 : i32
        %get3A_208 = arith.index_cast %add3A_207 : i32 to index
        %get3A_209 = tpu.vector_load %arg5[%get3A_208] {strides = array<i32>} : memref<32768xf32, #tpu.memory_space<vmem>>, vector<16xf32>,
        %get3A_210 = vector.shape_cast %get3A_209 : vector<16xf32> to vector<16xf32>
        %get3A_211 = arith.index_cast %add3A_207 : i32 to index
        %get3A_212 = tpu.vector_load %arg6[%get3A_211] {strides = array<i32>} : memref<32768xf32, #tpu.memory_space<vmem>>, vector<16xf32>,
        %get3A_213 = vector.shape_cast %get3A_212 : vector<16xf32> to vector<16xf32>
        %add3A_214 = arith.addf %get3A_210, %get3A_213 : vector<16xf32>
        %swap3A_215 = arith.index_cast %add3A_207 : i32 to index
        %swap3A_216 = tpu.vector_load %arg5[%swap3A_215] {strides = array<i32>} : memref<32768xf32, #tpu.memory_space<vmem>>, vector<16xf32>,
        %swap3A_217 = vector.shape_cast %swap3A_216 : vector<16xf32> to vector<16xf32>
        %swap3A_218 = vector.shape_cast %add3A_214 : vector<16xf32> to vector<16xf32>
        tpu.vector_store %arg5[%swap3A_215], %swap3A_218 {strides = array<i32>} : memref<32768xf32, #tpu.memory_space<vmem>>, vector<16xf32>,
        %add3A_219 = arith.constant 240 : i32
        %add3A_220 = arith.addi %mul3A_25, %add3A_219 : i32
        %get3A_221 = arith.index_cast %add3A_220 : i32 to index
        %get3A_222 = tpu.vector_load %arg5[%get3A_221] {strides = array<i32>} : memref<32768xf32, #tpu.memory_space<vmem>>, vector<16xf32>,
        %get3A_223 = vector.shape_cast %get3A_222 : vector<16xf32> to vector<16xf32>
        %get3A_224 = arith.index_cast %add3A_220 : i32 to index
        %get3A_225 = tpu.vector_load %arg6[%get3A_224] {strides = array<i32>} : memref<32768xf32, #tpu.memory_space<vmem>>, vector<16xf32>,
        %get3A_226 = vector.shape_cast %get3A_225 : vector<16xf32> to vector<16xf32>
        %add3A_227 = arith.addf %get3A_223, %get3A_226 : vector<16xf32>
        %swap3A_228 = arith.index_cast %add3A_220 : i32 to index
        %swap3A_229 = tpu.vector_load %arg5[%swap3A_228] {strides = array<i32>} : memref<32768xf32, #tpu.memory_space<vmem>>, vector<16xf32>,
        %swap3A_230 = vector.shape_cast %swap3A_229 : vector<16xf32> to vector<16xf32>
        %swap3A_231 = vector.shape_cast %add3A_227 : vector<16xf32> to vector<16xf32>
        tpu.vector_store %arg5[%swap3A_228], %swap3A_231 {strides = array<i32>} : memref<32768xf32, #tpu.memory_space<vmem>>, vector<16xf32>,
        %add3A_232 = arith.constant 256 : i32
        %add3A_233 = arith.addi %mul3A_25, %add3A_232 : i32
        %get3A_234 = arith.index_cast %add3A_233 : i32 to index
        %get3A_235 = tpu.vector_load %arg5[%get3A_234] {strides = array<i32>} : memref<32768xf32, #tpu.memory_space<vmem>>, vector<16xf32>,
        %get3A_236 = vector.shape_cast %get3A_235 : vector<16xf32> to vector<16xf32>
        %get3A_237 = arith.index_cast %add3A_233 : i32 to index
        %get3A_238 = tpu.vector_load %arg6[%get3A_237] {strides = array<i32>} : memref<32768xf32, #tpu.memory_space<vmem>>, vector<16xf32>,
        %get3A_239 = vector.shape_cast %get3A_238 : vector<16xf32> to vector<16xf32>
        %add3A_240 = arith.addf %get3A_236, %get3A_239 : vector<16xf32>
        %swap3A_241 = arith.index_cast %add3A_233 : i32 to index
        %swap3A_242 = tpu.vector_load %arg5[%swap3A_241] {strides = array<i32>} : memref<32768xf32, #tpu.memory_space<vmem>>, vector<16xf32>,
        %swap3A_243 = vector.shape_cast %swap3A_242 : vector<16xf32> to vector<16xf32>
        %swap3A_244 = vector.shape_cast %add3A_240 : vector<16xf32> to vector<16xf32>
        tpu.vector_store %arg5[%swap3A_241], %swap3A_244 {strides = array<i32>} : memref<32768xf32, #tpu.memory_space<vmem>>, vector<16xf32>,
        %add3A_245 = arith.constant 272 : i32
        %add3A_246 = arith.addi %mul3A_25, %add3A_245 : i32
        %get3A_247 = arith.index_cast %add3A_246 : i32 to index
        %get3A_248 = tpu.vector_load %arg5[%get3A_247] {strides = array<i32>} : memref<32768xf32, #tpu.memory_space<vmem>>, vector<16xf32>,
        %get3A_249 = vector.shape_cast %get3A_248 : vector<16xf32> to vector<16xf32>
        %get3A_250 = arith.index_cast %add3A_246 : i32 to index
        %get3A_251 = tpu.vector_load %arg6[%get3A_250] {strides = array<i32>} : memref<32768xf32, #tpu.memory_space<vmem>>, vector<16xf32>,
        %get3A_252 = vector.shape_cast %get3A_251 : vector<16xf32> to vector<16xf32>
        %add3A_253 = arith.addf %get3A_249, %get3A_252 : vector<16xf32>
        %swap3A_254 = arith.index_cast %add3A_246 : i32 to index
        %swap3A_255 = tpu.vector_load %arg5[%swap3A_254] {strides = array<i32>} : memref<32768xf32, #tpu.memory_space<vmem>>, vector<16xf32>,
        %swap3A_256 = vector.shape_cast %swap3A_255 : vector<16xf32> to vector<16xf32>
        %swap3A_257 = vector.shape_cast %add3A_253 : vector<16xf32> to vector<16xf32>
        tpu.vector_store %arg5[%swap3A_254], %swap3A_257 {strides = array<i32>} : memref<32768xf32, #tpu.memory_space<vmem>>, vector<16xf32>,
        %add3A_258 = arith.constant 288 : i32
        %add3A_259 = arith.addi %mul3A_25, %add3A_258 : i32
        %get3A_260 = arith.index_cast %add3A_259 : i32 to index
        %get3A_261 = tpu.vector_load %arg5[%get3A_260] {strides = array<i32>} : memref<32768xf32, #tpu.memory_space<vmem>>, vector<16xf32>,
        %get3A_262 = vector.shape_cast %get3A_261 : vector<16xf32> to vector<16xf32>
        %get3A_263 = arith.index_cast %add3A_259 : i32 to index
        %get3A_264 = tpu.vector_load %arg6[%get3A_263] {strides = array<i32>} : memref<32768xf32, #tpu.memory_space<vmem>>, vector<16xf32>,
        %get3A_265 = vector.shape_cast %get3A_264 : vector<16xf32> to vector<16xf32>
        %add3A_266 = arith.addf %get3A_262, %get3A_265 : vector<16xf32>
        %swap3A_267 = arith.index_cast %add3A_259 : i32 to index
        %swap3A_268 = tpu.vector_load %arg5[%swap3A_267] {strides = array<i32>} : memref<32768xf32, #tpu.memory_space<vmem>>, vector<16xf32>,
        %swap3A_269 = vector.shape_cast %swap3A_268 : vector<16xf32> to vector<16xf32>
        %swap3A_270 = vector.shape_cast %add3A_266 : vector<16xf32> to vector<16xf32>
        tpu.vector_store %arg5[%swap3A_267], %swap3A_270 {strides = array<i32>} : memref<32768xf32, #tpu.memory_space<vmem>>, vector<16xf32>,
        %add3A_271 = arith.constant 304 : i32
        %add3A_272 = arith.addi %mul3A_25, %add3A_271 : i32
        %get3A_273 = arith.index_cast %add3A_272 : i32 to index
        %get3A_274 = tpu.vector_load %arg5[%get3A_273] {strides = array<i32>} : memref<32768xf32, #tpu.memory_space<vmem>>, vector<16xf32>,
        %get3A_275 = vector.shape_cast %get3A_274 : vector<16xf32> to vector<16xf32>
        %get3A_276 = arith.index_cast %add3A_272 : i32 to index
        %get3A_277 = tpu.vector_load %arg6[%get3A_276] {strides = array<i32>} : memref<32768xf32, #tpu.memory_space<vmem>>, vector<16xf32>,
        %get3A_278 = vector.shape_cast %get3A_277 : vector<16xf32> to vector<16xf32>
        %add3A_279 = arith.addf %get3A_275, %get3A_278 : vector<16xf32>
        %swap3A_280 = arith.index_cast %add3A_272 : i32 to index
        %swap3A_281 = tpu.vector_load %arg5[%swap3A_280] {strides = array<i32>} : memref<32768xf32, #tpu.memory_space<vmem>>, vector<16xf32>,
        %swap3A_282 = vector.shape_cast %swap3A_281 : vector<16xf32> to vector<16xf32>
        %swap3A_283 = vector.shape_cast %add3A_279 : vector<16xf32> to vector<16xf32>
        tpu.vector_store %arg5[%swap3A_280], %swap3A_283 {strides = array<i32>} : memref<32768xf32, #tpu.memory_space<vmem>>, vector<16xf32>,
        %add3A_284 = arith.constant 320 : i32
        %add3A_285 = arith.addi %mul3A_25, %add3A_284 : i32
        %get3A_286 = arith.index_cast %add3A_285 : i32 to index
        %get3A_287 = tpu.vector_load %arg5[%get3A_286] {strides = array<i32>} : memref<32768xf32, #tpu.memory_space<vmem>>, vector<16xf32>,
        %get3A_288 = vector.shape_cast %get3A_287 : vector<16xf32> to vector<16xf32>
        %get3A_289 = arith.index_cast %add3A_285 : i32 to index
        %get3A_290 = tpu.vector_load %arg6[%get3A_289] {strides = array<i32>} : memref<32768xf32, #tpu.memory_space<vmem>>, vector<16xf32>,
        %get3A_291 = vector.shape_cast %get3A_290 : vector<16xf32> to vector<16xf32>
        %add3A_292 = arith.addf %get3A_288, %get3A_291 : vector<16xf32>
        %swap3A_293 = arith.index_cast %add3A_285 : i32 to index
        %swap3A_294 = tpu.vector_load %arg5[%swap3A_293] {strides = array<i32>} : memref<32768xf32, #tpu.memory_space<vmem>>, vector<16xf32>,
        %swap3A_295 = vector.shape_cast %swap3A_294 : vector<16xf32> to vector<16xf32>
        %swap3A_296 = vector.shape_cast %add3A_292 : vector<16xf32> to vector<16xf32>
        tpu.vector_store %arg5[%swap3A_293], %swap3A_296 {strides = array<i32>} : memref<32768xf32, #tpu.memory_space<vmem>>, vector<16xf32>,
        %add3A_297 = arith.constant 336 : i32
        %add3A_298 = arith.addi %mul3A_25, %add3A_297 : i32
        %get3A_299 = arith.index_cast %add3A_298 : i32 to index
        %get3A_300 = tpu.vector_load %arg5[%get3A_299] {strides = array<i32>} : memref<32768xf32, #tpu.memory_space<vmem>>, vector<16xf32>,
        %get3A_301 = vector.shape_cast %get3A_300 : vector<16xf32> to vector<16xf32>
        %get3A_302 = arith.index_cast %add3A_298 : i32 to index
        %get3A_303 = tpu.vector_load %arg6[%get3A_302] {strides = array<i32>} : memref<32768xf32, #tpu.memory_space<vmem>>, vector<16xf32>,
        %get3A_304 = vector.shape_cast %get3A_303 : vector<16xf32> to vector<16xf32>
        %add3A_305 = arith.addf %get3A_301, %get3A_304 : vector<16xf32>
        %swap3A_306 = arith.index_cast %add3A_298 : i32 to index
        %swap3A_307 = tpu.vector_load %arg5[%swap3A_306] {strides = array<i32>} : memref<32768xf32, #tpu.memory_space<vmem>>, vector<16xf32>,
        %swap3A_308 = vector.shape_cast %swap3A_307 : vector<16xf32> to vector<16xf32>
        %swap3A_309 = vector.shape_cast %add3A_305 : vector<16xf32> to vector<16xf32>
        tpu.vector_store %arg5[%swap3A_306], %swap3A_309 {strides = array<i32>} : memref<32768xf32, #tpu.memory_space<vmem>>, vector<16xf32>,
        %add3A_310 = arith.constant 352 : i32
        %add3A_311 = arith.addi %mul3A_25, %add3A_310 : i32
        %get3A_312 = arith.index_cast %add3A_311 : i32 to index
        %get3A_313 = tpu.vector_load %arg5[%get3A_312] {strides = array<i32>} : memref<32768xf32, #tpu.memory_space<vmem>>, vector<16xf32>,
        %get3A_314 = vector.shape_cast %get3A_313 : vector<16xf32> to vector<16xf32>
        %get3A_315 = arith.index_cast %add3A_311 : i32 to index
        %get3A_316 = tpu.vector_load %arg6[%get3A_315] {strides = array<i32>} : memref<32768xf32, #tpu.memory_space<vmem>>, vector<16xf32>,
        %get3A_317 = vector.shape_cast %get3A_316 : vector<16xf32> to vector<16xf32>
        %add3A_318 = arith.addf %get3A_314, %get3A_317 : vector<16xf32>
        %swap3A_319 = arith.index_cast %add3A_311 : i32 to index
        %swap3A_320 = tpu.vector_load %arg5[%swap3A_319] {strides = array<i32>} : memref<32768xf32, #tpu.memory_space<vmem>>, vector<16xf32>,
        %swap3A_321 = vector.shape_cast %swap3A_320 : vector<16xf32> to vector<16xf32>
        %swap3A_322 = vector.shape_cast %add3A_318 : vector<16xf32> to vector<16xf32>
        tpu.vector_store %arg5[%swap3A_319], %swap3A_322 {strides = array<i32>} : memref<32768xf32, #tpu.memory_space<vmem>>, vector<16xf32>,
        %add3A_323 = arith.constant 368 : i32
        %add3A_324 = arith.addi %mul3A_25, %add3A_323 : i32
        %get3A_325 = arith.index_cast %add3A_324 : i32 to index
        %get3A_326 = tpu.vector_load %arg5[%get3A_325] {strides = array<i32>} : memref<32768xf32, #tpu.memory_space<vmem>>, vector<16xf32>,
        %get3A_327 = vector.shape_cast %get3A_326 : vector<16xf32> to vector<16xf32>
        %get3A_328 = arith.index_cast %add3A_324 : i32 to index
        %get3A_329 = tpu.vector_load %arg6[%get3A_328] {strides = array<i32>} : memref<32768xf32, #tpu.memory_space<vmem>>, vector<16xf32>,
        %get3A_330 = vector.shape_cast %get3A_329 : vector<16xf32> to vector<16xf32>
        %add3A_331 = arith.addf %get3A_327, %get3A_330 : vector<16xf32>
        %swap3A_332 = arith.index_cast %add3A_324 : i32 to index
        %swap3A_333 = tpu.vector_load %arg5[%swap3A_332] {strides = array<i32>} : memref<32768xf32, #tpu.memory_space<vmem>>, vector<16xf32>,
        %swap3A_334 = vector.shape_cast %swap3A_333 : vector<16xf32> to vector<16xf32>
        %swap3A_335 = vector.shape_cast %add3A_331 : vector<16xf32> to vector<16xf32>
        tpu.vector_store %arg5[%swap3A_332], %swap3A_335 {strides = array<i32>} : memref<32768xf32, #tpu.memory_space<vmem>>, vector<16xf32>,
        %add3A_336 = arith.constant 384 : i32
        %add3A_337 = arith.addi %mul3A_25, %add3A_336 : i32
        %get3A_338 = arith.index_cast %add3A_337 : i32 to index
        %get3A_339 = tpu.vector_load %arg5[%get3A_338] {strides = array<i32>} : memref<32768xf32, #tpu.memory_space<vmem>>, vector<16xf32>,
        %get3A_340 = vector.shape_cast %get3A_339 : vector<16xf32> to vector<16xf32>
        %get3A_341 = arith.index_cast %add3A_337 : i32 to index
        %get3A_342 = tpu.vector_load %arg6[%get3A_341] {strides = array<i32>} : memref<32768xf32, #tpu.memory_space<vmem>>, vector<16xf32>,
        %get3A_343 = vector.shape_cast %get3A_342 : vector<16xf32> to vector<16xf32>
        %add3A_344 = arith.addf %get3A_340, %get3A_343 : vector<16xf32>
        %swap3A_345 = arith.index_cast %add3A_337 : i32 to index
        %swap3A_346 = tpu.vector_load %arg5[%swap3A_345] {strides = array<i32>} : memref<32768xf32, #tpu.memory_space<vmem>>, vector<16xf32>,
        %swap3A_347 = vector.shape_cast %swap3A_346 : vector<16xf32> to vector<16xf32>
        %swap3A_348 = vector.shape_cast %add3A_344 : vector<16xf32> to vector<16xf32>
        tpu.vector_store %arg5[%swap3A_345], %swap3A_348 {strides = array<i32>} : memref<32768xf32, #tpu.memory_space<vmem>>, vector<16xf32>,
        %add3A_349 = arith.constant 400 : i32
        %add3A_350 = arith.addi %mul3A_25, %add3A_349 : i32
        %get3A_351 = arith.index_cast %add3A_350 : i32 to index
        %get3A_352 = tpu.vector_load %arg5[%get3A_351] {strides = array<i32>} : memref<32768xf32, #tpu.memory_space<vmem>>, vector<16xf32>,
        %get3A_353 = vector.shape_cast %get3A_352 : vector<16xf32> to vector<16xf32>
        %get3A_354 = arith.index_cast %add3A_350 : i32 to index
        %get3A_355 = tpu.vector_load %arg6[%get3A_354] {strides = array<i32>} : memref<32768xf32, #tpu.memory_space<vmem>>, vector<16xf32>,
        %get3A_356 = vector.shape_cast %get3A_355 : vector<16xf32> to vector<16xf32>
        %add3A_357 = arith.addf %get3A_353, %get3A_356 : vector<16xf32>
        %swap3A_358 = arith.index_cast %add3A_350 : i32 to index
        %swap3A_359 = tpu.vector_load %arg5[%swap3A_358] {strides = array<i32>} : memref<32768xf32, #tpu.memory_space<vmem>>, vector<16xf32>,
        %swap3A_360 = vector.shape_cast %swap3A_359 : vector<16xf32> to vector<16xf32>
        %swap3A_361 = vector.shape_cast %add3A_357 : vector<16xf32> to vector<16xf32>
        tpu.vector_store %arg5[%swap3A_358], %swap3A_361 {strides = array<i32>} : memref<32768xf32, #tpu.memory_space<vmem>>, vector<16xf32>,
        %add3A_362 = arith.constant 416 : i32
        %add3A_363 = arith.addi %mul3A_25, %add3A_362 : i32
        %get3A_364 = arith.index_cast %add3A_363 : i32 to index
        %get3A_365 = tpu.vector_load %arg5[%get3A_364] {strides = array<i32>} : memref<32768xf32, #tpu.memory_space<vmem>>, vector<16xf32>,
        %get3A_366 = vector.shape_cast %get3A_365 : vector<16xf32> to vector<16xf32>
        %get3A_367 = arith.index_cast %add3A_363 : i32 to index
        %get3A_368 = tpu.vector_load %arg6[%get3A_367] {strides = array<i32>} : memref<32768xf32, #tpu.memory_space<vmem>>, vector<16xf32>,
        %get3A_369 = vector.shape_cast %get3A_368 : vector<16xf32> to vector<16xf32>
        %add3A_370 = arith.addf %get3A_366, %get3A_369 : vector<16xf32>
        %swap3A_371 = arith.index_cast %add3A_363 : i32 to index
        %swap3A_372 = tpu.vector_load %arg5[%swap3A_371] {strides = array<i32>} : memref<32768xf32, #tpu.memory_space<vmem>>, vector<16xf32>,
        %swap3A_373 = vector.shape_cast %swap3A_372 : vector<16xf32> to vector<16xf32>
        %swap3A_374 = vector.shape_cast %add3A_370 : vector<16xf32> to vector<16xf32>
        tpu.vector_store %arg5[%swap3A_371], %swap3A_374 {strides = array<i32>} : memref<32768xf32, #tpu.memory_space<vmem>>, vector<16xf32>,
        %add3A_375 = arith.constant 432 : i32
        %add3A_376 = arith.addi %mul3A_25, %add3A_375 : i32
        %get3A_377 = arith.index_cast %add3A_376 : i32 to index
        %get3A_378 = tpu.vector_load %arg5[%get3A_377] {strides = array<i32>} : memref<32768xf32, #tpu.memory_space<vmem>>, vector<16xf32>,
        %get3A_379 = vector.shape_cast %get3A_378 : vector<16xf32> to vector<16xf32>
        %get3A_380 = arith.index_cast %add3A_376 : i32 to index
        %get3A_381 = tpu.vector_load %arg6[%get3A_380] {strides = array<i32>} : memref<32768xf32, #tpu.memory_space<vmem>>, vector<16xf32>,
        %get3A_382 = vector.shape_cast %get3A_381 : vector<16xf32> to vector<16xf32>
        %add3A_383 = arith.addf %get3A_379, %get3A_382 : vector<16xf32>
        %swap3A_384 = arith.index_cast %add3A_376 : i32 to index
        %swap3A_385 = tpu.vector_load %arg5[%swap3A_384] {strides = array<i32>} : memref<32768xf32, #tpu.memory_space<vmem>>, vector<16xf32>,
        %swap3A_386 = vector.shape_cast %swap3A_385 : vector<16xf32> to vector<16xf32>
        %swap3A_387 = vector.shape_cast %add3A_383 : vector<16xf32> to vector<16xf32>
        tpu.vector_store %arg5[%swap3A_384], %swap3A_387 {strides = array<i32>} : memref<32768xf32, #tpu.memory_space<vmem>>, vector<16xf32>,
        %add3A_388 = arith.constant 448 : i32
        %add3A_389 = arith.addi %mul3A_25, %add3A_388 : i32
        %get3A_390 = arith.index_cast %add3A_389 : i32 to index
        %get3A_391 = tpu.vector_load %arg5[%get3A_390] {strides = array<i32>} : memref<32768xf32, #tpu.memory_space<vmem>>, vector<16xf32>,
        %get3A_392 = vector.shape_cast %get3A_391 : vector<16xf32> to vector<16xf32>
        %get3A_393 = arith.index_cast %add3A_389 : i32 to index
        %get3A_394 = tpu.vector_load %arg6[%get3A_393] {strides = array<i32>} : memref<32768xf32, #tpu.memory_space<vmem>>, vector<16xf32>,
        %get3A_395 = vector.shape_cast %get3A_394 : vector<16xf32> to vector<16xf32>
        %add3A_396 = arith.addf %get3A_392, %get3A_395 : vector<16xf32>
        %swap3A_397 = arith.index_cast %add3A_389 : i32 to index
        %swap3A_398 = tpu.vector_load %arg5[%swap3A_397] {strides = array<i32>} : memref<32768xf32, #tpu.memory_space<vmem>>, vector<16xf32>,
        %swap3A_399 = vector.shape_cast %swap3A_398 : vector<16xf32> to vector<16xf32>
        %swap3A_400 = vector.shape_cast %add3A_396 : vector<16xf32> to vector<16xf32>
        tpu.vector_store %arg5[%swap3A_397], %swap3A_400 {strides = array<i32>} : memref<32768xf32, #tpu.memory_space<vmem>>, vector<16xf32>,
        %add3A_401 = arith.constant 464 : i32
        %add3A_402 = arith.addi %mul3A_25, %add3A_401 : i32
        %get3A_403 = arith.index_cast %add3A_402 : i32 to index
        %get3A_404 = tpu.vector_load %arg5[%get3A_403] {strides = array<i32>} : memref<32768xf32, #tpu.memory_space<vmem>>, vector<16xf32>,
        %get3A_405 = vector.shape_cast %get3A_404 : vector<16xf32> to vector<16xf32>
        %get3A_406 = arith.index_cast %add3A_402 : i32 to index
        %get3A_407 = tpu.vector_load %arg6[%get3A_406] {strides = array<i32>} : memref<32768xf32, #tpu.memory_space<vmem>>, vector<16xf32>,
        %get3A_408 = vector.shape_cast %get3A_407 : vector<16xf32> to vector<16xf32>
        %add3A_409 = arith.addf %get3A_405, %get3A_408 : vector<16xf32>
        %swap3A_410 = arith.index_cast %add3A_402 : i32 to index
        %swap3A_411 = tpu.vector_load %arg5[%swap3A_410] {strides = array<i32>} : memref<32768xf32, #tpu.memory_space<vmem>>, vector<16xf32>,
        %swap3A_412 = vector.shape_cast %swap3A_411 : vector<16xf32> to vector<16xf32>
        %swap3A_413 = vector.shape_cast %add3A_409 : vector<16xf32> to vector<16xf32>
        tpu.vector_store %arg5[%swap3A_410], %swap3A_413 {strides = array<i32>} : memref<32768xf32, #tpu.memory_space<vmem>>, vector<16xf32>,
        %add3A_414 = arith.constant 480 : i32
        %add3A_415 = arith.addi %mul3A_25, %add3A_414 : i32
        %get3A_416 = arith.index_cast %add3A_415 : i32 to index
        %get3A_417 = tpu.vector_load %arg5[%get3A_416] {strides = array<i32>} : memref<32768xf32, #tpu.memory_space<vmem>>, vector<16xf32>,
        %get3A_418 = vector.shape_cast %get3A_417 : vector<16xf32> to vector<16xf32>
        %get3A_419 = arith.index_cast %add3A_415 : i32 to index
        %get3A_420 = tpu.vector_load %arg6[%get3A_419] {strides = array<i32>} : memref<32768xf32, #tpu.memory_space<vmem>>, vector<16xf32>,
        %get3A_421 = vector.shape_cast %get3A_420 : vector<16xf32> to vector<16xf32>
        %add3A_422 = arith.addf %get3A_418, %get3A_421 : vector<16xf32>
        %swap3A_423 = arith.index_cast %add3A_415 : i32 to index
        %swap3A_424 = tpu.vector_load %arg5[%swap3A_423] {strides = array<i32>} : memref<32768xf32, #tpu.memory_space<vmem>>, vector<16xf32>,
        %swap3A_425 = vector.shape_cast %swap3A_424 : vector<16xf32> to vector<16xf32>
        %swap3A_426 = vector.shape_cast %add3A_422 : vector<16xf32> to vector<16xf32>
        tpu.vector_store %arg5[%swap3A_423], %swap3A_426 {strides = array<i32>} : memref<32768xf32, #tpu.memory_space<vmem>>, vector<16xf32>,
        %add3A_427 = arith.constant 496 : i32
        %add3A_428 = arith.addi %mul3A_25, %add3A_427 : i32
        %get3A_429 = arith.index_cast %add3A_428 : i32 to index
        %get3A_430 = tpu.vector_load %arg5[%get3A_429] {strides = array<i32>} : memref<32768xf32, #tpu.memory_space<vmem>>, vector<16xf32>,
        %get3A_431 = vector.shape_cast %get3A_430 : vector<16xf32> to vector<16xf32>
        %get3A_432 = arith.index_cast %add3A_428 : i32 to index
        %get3A_433 = tpu.vector_load %arg6[%get3A_432] {strides = array<i32>} : memref<32768xf32, #tpu.memory_space<vmem>>, vector<16xf32>,
        %get3A_434 = vector.shape_cast %get3A_433 : vector<16xf32> to vector<16xf32>
        %add3A_435 = arith.addf %get3A_431, %get3A_434 : vector<16xf32>
        %swap3A_436 = arith.index_cast %add3A_428 : i32 to index
        %swap3A_437 = tpu.vector_load %arg5[%swap3A_436] {strides = array<i32>} : memref<32768xf32, #tpu.memory_space<vmem>>, vector<16xf32>,
        %swap3A_438 = vector.shape_cast %swap3A_437 : vector<16xf32> to vector<16xf32>
        %swap3A_439 = vector.shape_cast %add3A_435 : vector<16xf32> to vector<16xf32>
        tpu.vector_store %arg5[%swap3A_436], %swap3A_439 {strides = array<i32>} : memref<32768xf32, #tpu.memory_space<vmem>>, vector<16xf32>,
        %add3A_440 = arith.constant 512 : i32
        %add3A_441 = arith.addi %mul3A_25, %add3A_440 : i32
        %get3A_442 = arith.index_cast %add3A_441 : i32 to index
        %get3A_443 = tpu.vector_load %arg5[%get3A_442] {strides = array<i32>} : memref<32768xf32, #tpu.memory_space<vmem>>, vector<16xf32>,
        %get3A_444 = vector.shape_cast %get3A_443 : vector<16xf32> to vector<16xf32>
        %get3A_445 = arith.index_cast %add3A_441 : i32 to index
        %get3A_446 = tpu.vector_load %arg6[%get3A_445] {strides = array<i32>} : memref<32768xf32, #tpu.memory_space<vmem>>, vector<16xf32>,
        %get3A_447 = vector.shape_cast %get3A_446 : vector<16xf32> to vector<16xf32>
        %add3A_448 = arith.addf %get3A_444, %get3A_447 : vector<16xf32>
        %swap3A_449 = arith.index_cast %add3A_441 : i32 to index
        %swap3A_450 = tpu.vector_load %arg5[%swap3A_449] {strides = array<i32>} : memref<32768xf32, #tpu.memory_space<vmem>>, vector<16xf32>,
        %swap3A_451 = vector.shape_cast %swap3A_450 : vector<16xf32> to vector<16xf32>
        %swap3A_452 = vector.shape_cast %add3A_448 : vector<16xf32> to vector<16xf32>
        tpu.vector_store %arg5[%swap3A_449], %swap3A_452 {strides = array<i32>} : memref<32768xf32, #tpu.memory_space<vmem>>, vector<16xf32>,
        %add3A_453 = arith.constant 528 : i32
        %add3A_454 = arith.addi %mul3A_25, %add3A_453 : i32
        %get3A_455 = arith.index_cast %add3A_454 : i32 to index
        %get3A_456 = tpu.vector_load %arg5[%get3A_455] {strides = array<i32>} : memref<32768xf32, #tpu.memory_space<vmem>>, vector<16xf32>,
        %get3A_457 = vector.shape_cast %get3A_456 : vector<16xf32> to vector<16xf32>
        %get3A_458 = arith.index_cast %add3A_454 : i32 to index
        %get3A_459 = tpu.vector_load %arg6[%get3A_458] {strides = array<i32>} : memref<32768xf32, #tpu.memory_space<vmem>>, vector<16xf32>,
        %get3A_460 = vector.shape_cast %get3A_459 : vector<16xf32> to vector<16xf32>
        %add3A_461 = arith.addf %get3A_457, %get3A_460 : vector<16xf32>
        %swap3A_462 = arith.index_cast %add3A_454 : i32 to index
        %swap3A_463 = tpu.vector_load %arg5[%swap3A_462] {strides = array<i32>} : memref<32768xf32, #tpu.memory_space<vmem>>, vector<16xf32>,
        %swap3A_464 = vector.shape_cast %swap3A_463 : vector<16xf32> to vector<16xf32>
        %swap3A_465 = vector.shape_cast %add3A_461 : vector<16xf32> to vector<16xf32>
        tpu.vector_store %arg5[%swap3A_462], %swap3A_465 {strides = array<i32>} : memref<32768xf32, #tpu.memory_space<vmem>>, vector<16xf32>,
        %add3A_466 = arith.constant 544 : i32
        %add3A_467 = arith.addi %mul3A_25, %add3A_466 : i32
        %get3A_468 = arith.index_cast %add3A_467 : i32 to index
        %get3A_469 = tpu.vector_load %arg5[%get3A_468] {strides = array<i32>} : memref<32768xf32, #tpu.memory_space<vmem>>, vector<16xf32>,
        %get3A_470 = vector.shape_cast %get3A_469 : vector<16xf32> to vector<16xf32>
        %get3A_471 = arith.index_cast %add3A_467 : i32 to index
        %get3A_472 = tpu.vector_load %arg6[%get3A_471] {strides = array<i32>} : memref<32768xf32, #tpu.memory_space<vmem>>, vector<16xf32>,
        %get3A_473 = vector.shape_cast %get3A_472 : vector<16xf32> to vector<16xf32>
        %add3A_474 = arith.addf %get3A_470, %get3A_473 : vector<16xf32>
        %swap3A_475 = arith.index_cast %add3A_467 : i32 to index
        %swap3A_476 = tpu.vector_load %arg5[%swap3A_475] {strides = array<i32>} : memref<32768xf32, #tpu.memory_space<vmem>>, vector<16xf32>,
        %swap3A_477 = vector.shape_cast %swap3A_476 : vector<16xf32> to vector<16xf32>
        %swap3A_478 = vector.shape_cast %add3A_474 : vector<16xf32> to vector<16xf32>
        tpu.vector_store %arg5[%swap3A_475], %swap3A_478 {strides = array<i32>} : memref<32768xf32, #tpu.memory_space<vmem>>, vector<16xf32>,
        %add3A_479 = arith.constant 560 : i32
        %add3A_480 = arith.addi %mul3A_25, %add3A_479 : i32
        %get3A_481 = arith.index_cast %add3A_480 : i32 to index
        %get3A_482 = tpu.vector_load %arg5[%get3A_481] {strides = array<i32>} : memref<32768xf32, #tpu.memory_space<vmem>>, vector<16xf32>,
        %get3A_483 = vector.shape_cast %get3A_482 : vector<16xf32> to vector<16xf32>
        %get3A_484 = arith.index_cast %add3A_480 : i32 to index
        %get3A_485 = tpu.vector_load %arg6[%get3A_484] {strides = array<i32>} : memref<32768xf32, #tpu.memory_space<vmem>>, vector<16xf32>,
        %get3A_486 = vector.shape_cast %get3A_485 : vector<16xf32> to vector<16xf32>
        %add3A_487 = arith.addf %get3A_483, %get3A_486 : vector<16xf32>
        %swap3A_488 = arith.index_cast %add3A_480 : i32 to index
        %swap3A_489 = tpu.vector_load %arg5[%swap3A_488] {strides = array<i32>} : memref<32768xf32, #tpu.memory_space<vmem>>, vector<16xf32>,
        %swap3A_490 = vector.shape_cast %swap3A_489 : vector<16xf32> to vector<16xf32>
        %swap3A_491 = vector.shape_cast %add3A_487 : vector<16xf32> to vector<16xf32>
        tpu.vector_store %arg5[%swap3A_488], %swap3A_491 {strides = array<i32>} : memref<32768xf32, #tpu.memory_space<vmem>>, vector<16xf32>,
        %add3A_492 = arith.constant 576 : i32
        %add3A_493 = arith.addi %mul3A_25, %add3A_492 : i32
        %get3A_494 = arith.index_cast %add3A_493 : i32 to index
        %get3A_495 = tpu.vector_load %arg5[%get3A_494] {strides = array<i32>} : memref<32768xf32, #tpu.memory_space<vmem>>, vector<16xf32>,
        %get3A_496 = vector.shape_cast %get3A_495 : vector<16xf32> to vector<16xf32>
        %get3A_497 = arith.index_cast %add3A_493 : i32 to index
        %get3A_498 = tpu.vector_load %arg6[%get3A_497] {strides = array<i32>} : memref<32768xf32, #tpu.memory_space<vmem>>, vector<16xf32>,
        %get3A_499 = vector.shape_cast %get3A_498 : vector<16xf32> to vector<16xf32>
        %add3A_500 = arith.addf %get3A_496, %get3A_499 : vector<16xf32>
        %swap3A_501 = arith.index_cast %add3A_493 : i32 to index
        %swap3A_502 = tpu.vector_load %arg5[%swap3A_501] {strides = array<i32>} : memref<32768xf32, #tpu.memory_space<vmem>>, vector<16xf32>,
        %swap3A_503 = vector.shape_cast %swap3A_502 : vector<16xf32> to vector<16xf32>
        %swap3A_504 = vector.shape_cast %add3A_500 : vector<16xf32> to vector<16xf32>
        tpu.vector_store %arg5[%swap3A_501], %swap3A_504 {strides = array<i32>} : memref<32768xf32, #tpu.memory_space<vmem>>, vector<16xf32>,
        %add3A_505 = arith.constant 592 : i32
        %add3A_506 = arith.addi %mul3A_25, %add3A_505 : i32
        %get3A_507 = arith.index_cast %add3A_506 : i32 to index
        %get3A_508 = tpu.vector_load %arg5[%get3A_507] {strides = array<i32>} : memref<32768xf32, #tpu.memory_space<vmem>>, vector<16xf32>,
        %get3A_509 = vector.shape_cast %get3A_508 : vector<16xf32> to vector<16xf32>
        %get3A_510 = arith.index_cast %add3A_506 : i32 to index
        %get3A_511 = tpu.vector_load %arg6[%get3A_510] {strides = array<i32>} : memref<32768xf32, #tpu.memory_space<vmem>>, vector<16xf32>,
        %get3A_512 = vector.shape_cast %get3A_511 : vector<16xf32> to vector<16xf32>
        %add3A_513 = arith.addf %get3A_509, %get3A_512 : vector<16xf32>
        %swap3A_514 = arith.index_cast %add3A_506 : i32 to index
        %swap3A_515 = tpu.vector_load %arg5[%swap3A_514] {strides = array<i32>} : memref<32768xf32, #tpu.memory_space<vmem>>, vector<16xf32>,
        %swap3A_516 = vector.shape_cast %swap3A_515 : vector<16xf32> to vector<16xf32>
        %swap3A_517 = vector.shape_cast %add3A_513 : vector<16xf32> to vector<16xf32>
        tpu.vector_store %arg5[%swap3A_514], %swap3A_517 {strides = array<i32>} : memref<32768xf32, #tpu.memory_space<vmem>>, vector<16xf32>,
        %add3A_518 = arith.constant 608 : i32
        %add3A_519 = arith.addi %mul3A_25, %add3A_518 : i32
        %get3A_520 = arith.index_cast %add3A_519 : i32 to index
        %get3A_521 = tpu.vector_load %arg5[%get3A_520] {strides = array<i32>} : memref<32768xf32, #tpu.memory_space<vmem>>, vector<16xf32>,
        %get3A_522 = vector.shape_cast %get3A_521 : vector<16xf32> to vector<16xf32>
        %get3A_523 = arith.index_cast %add3A_519 : i32 to index
        %get3A_524 = tpu.vector_load %arg6[%get3A_523] {strides = array<i32>} : memref<32768xf32, #tpu.memory_space<vmem>>, vector<16xf32>,
        %get3A_525 = vector.shape_cast %get3A_524 : vector<16xf32> to vector<16xf32>
        %add3A_526 = arith.addf %get3A_522, %get3A_525 : vector<16xf32>
        %swap3A_527 = arith.index_cast %add3A_519 : i32 to index
        %swap3A_528 = tpu.vector_load %arg5[%swap3A_527] {strides = array<i32>} : memref<32768xf32, #tpu.memory_space<vmem>>, vector<16xf32>,
        %swap3A_529 = vector.shape_cast %swap3A_528 : vector<16xf32> to vector<16xf32>
        %swap3A_530 = vector.shape_cast %add3A_526 : vector<16xf32> to vector<16xf32>
        tpu.vector_store %arg5[%swap3A_527], %swap3A_530 {strides = array<i32>} : memref<32768xf32, #tpu.memory_space<vmem>>, vector<16xf32>,
        %add3A_531 = arith.constant 624 : i32
        %add3A_532 = arith.addi %mul3A_25, %add3A_531 : i32
        %get3A_533 = arith.index_cast %add3A_532 : i32 to index
        %get3A_534 = tpu.vector_load %arg5[%get3A_533] {strides = array<i32>} : memref<32768xf32, #tpu.memory_space<vmem>>, vector<16xf32>,
        %get3A_535 = vector.shape_cast %get3A_534 : vector<16xf32> to vector<16xf32>
        %get3A_536 = arith.index_cast %add3A_532 : i32 to index
        %get3A_537 = tpu.vector_load %arg6[%get3A_536] {strides = array<i32>} : memref<32768xf32, #tpu.memory_space<vmem>>, vector<16xf32>,
        %get3A_538 = vector.shape_cast %get3A_537 : vector<16xf32> to vector<16xf32>
        %add3A_539 = arith.addf %get3A_535, %get3A_538 : vector<16xf32>
        %swap3A_540 = arith.index_cast %add3A_532 : i32 to index
        %swap3A_541 = tpu.vector_load %arg5[%swap3A_540] {strides = array<i32>} : memref<32768xf32, #tpu.memory_space<vmem>>, vector<16xf32>,
        %swap3A_542 = vector.shape_cast %swap3A_541 : vector<16xf32> to vector<16xf32>
        %swap3A_543 = vector.shape_cast %add3A_539 : vector<16xf32> to vector<16xf32>
        tpu.vector_store %arg5[%swap3A_540], %swap3A_543 {strides = array<i32>} : memref<32768xf32, #tpu.memory_space<vmem>>, vector<16xf32>,
        %add3A_544 = arith.constant 640 : i32
        %add3A_545 = arith.addi %mul3A_25, %add3A_544 : i32
        %get3A_546 = arith.index_cast %add3A_545 : i32 to index
        %get3A_547 = tpu.vector_load %arg5[%get3A_546] {strides = array<i32>} : memref<32768xf32, #tpu.memory_space<vmem>>, vector<16xf32>,
        %get3A_548 = vector.shape_cast %get3A_547 : vector<16xf32> to vector<16xf32>
        %get3A_549 = arith.index_cast %add3A_545 : i32 to index
        %get3A_550 = tpu.vector_load %arg6[%get3A_549] {strides = array<i32>} : memref<32768xf32, #tpu.memory_space<vmem>>, vector<16xf32>,
        %get3A_551 = vector.shape_cast %get3A_550 : vector<16xf32> to vector<16xf32>
        %add3A_552 = arith.addf %get3A_548, %get3A_551 : vector<16xf32>
        %swap3A_553 = arith.index_cast %add3A_545 : i32 to index
        %swap3A_554 = tpu.vector_load %arg5[%swap3A_553] {strides = array<i32>} : memref<32768xf32, #tpu.memory_space<vmem>>, vector<16xf32>,
        %swap3A_555 = vector.shape_cast %swap3A_554 : vector<16xf32> to vector<16xf32>
        %swap3A_556 = vector.shape_cast %add3A_552 : vector<16xf32> to vector<16xf32>
        tpu.vector_store %arg5[%swap3A_553], %swap3A_556 {strides = array<i32>} : memref<32768xf32, #tpu.memory_space<vmem>>, vector<16xf32>,
        %add3A_557 = arith.constant 656 : i32
        %add3A_558 = arith.addi %mul3A_25, %add3A_557 : i32
        %get3A_559 = arith.index_cast %add3A_558 : i32 to index
        %get3A_560 = tpu.vector_load %arg5[%get3A_559] {strides = array<i32>} : memref<32768xf32, #tpu.memory_space<vmem>>, vector<16xf32>,
        %get3A_561 = vector.shape_cast %get3A_560 : vector<16xf32> to vector<16xf32>
        %get3A_562 = arith.index_cast %add3A_558 : i32 to index
        %get3A_563 = tpu.vector_load %arg6[%get3A_562] {strides = array<i32>} : memref<32768xf32, #tpu.memory_space<vmem>>, vector<16xf32>,
        %get3A_564 = vector.shape_cast %get3A_563 : vector<16xf32> to vector<16xf32>
        %add3A_565 = arith.addf %get3A_561, %get3A_564 : vector<16xf32>
        %swap3A_566 = arith.index_cast %add3A_558 : i32 to index
        %swap3A_567 = tpu.vector_load %arg5[%swap3A_566] {strides = array<i32>} : memref<32768xf32, #tpu.memory_space<vmem>>, vector<16xf32>,
        %swap3A_568 = vector.shape_cast %swap3A_567 : vector<16xf32> to vector<16xf32>
        %swap3A_569 = vector.shape_cast %add3A_565 : vector<16xf32> to vector<16xf32>
        tpu.vector_store %arg5[%swap3A_566], %swap3A_569 {strides = array<i32>} : memref<32768xf32, #tpu.memory_space<vmem>>, vector<16xf32>,
        %add3A_570 = arith.constant 672 : i32
        %add3A_571 = arith.addi %mul3A_25, %add3A_570 : i32
        %get3A_572 = arith.index_cast %add3A_571 : i32 to index
        %get3A_573 = tpu.vector_load %arg5[%get3A_572] {strides = array<i32>} : memref<32768xf32, #tpu.memory_space<vmem>>, vector<16xf32>,
        %get3A_574 = vector.shape_cast %get3A_573 : vector<16xf32> to vector<16xf32>
        %get3A_575 = arith.index_cast %add3A_571 : i32 to index
        %get3A_576 = tpu.vector_load %arg6[%get3A_575] {strides = array<i32>} : memref<32768xf32, #tpu.memory_space<vmem>>, vector<16xf32>,
        %get3A_577 = vector.shape_cast %get3A_576 : vector<16xf32> to vector<16xf32>
        %add3A_578 = arith.addf %get3A_574, %get3A_577 : vector<16xf32>
        %swap3A_579 = arith.index_cast %add3A_571 : i32 to index
        %swap3A_580 = tpu.vector_load %arg5[%swap3A_579] {strides = array<i32>} : memref<32768xf32, #tpu.memory_space<vmem>>, vector<16xf32>,
        %swap3A_581 = vector.shape_cast %swap3A_580 : vector<16xf32> to vector<16xf32>
        %swap3A_582 = vector.shape_cast %add3A_578 : vector<16xf32> to vector<16xf32>
        tpu.vector_store %arg5[%swap3A_579], %swap3A_582 {strides = array<i32>} : memref<32768xf32, #tpu.memory_space<vmem>>, vector<16xf32>,
        %add3A_583 = arith.constant 688 : i32
        %add3A_584 = arith.addi %mul3A_25, %add3A_583 : i32
        %get3A_585 = arith.index_cast %add3A_584 : i32 to index
        %get3A_586 = tpu.vector_load %arg5[%get3A_585] {strides = array<i32>} : memref<32768xf32, #tpu.memory_space<vmem>>, vector<16xf32>,
        %get3A_587 = vector.shape_cast %get3A_586 : vector<16xf32> to vector<16xf32>
        %get3A_588 = arith.index_cast %add3A_584 : i32 to index
        %get3A_589 = tpu.vector_load %arg6[%get3A_588] {strides = array<i32>} : memref<32768xf32, #tpu.memory_space<vmem>>, vector<16xf32>,
        %get3A_590 = vector.shape_cast %get3A_589 : vector<16xf32> to vector<16xf32>
        %add3A_591 = arith.addf %get3A_587, %get3A_590 : vector<16xf32>
        %swap3A_592 = arith.index_cast %add3A_584 : i32 to index
        %swap3A_593 = tpu.vector_load %arg5[%swap3A_592] {strides = array<i32>} : memref<32768xf32, #tpu.memory_space<vmem>>, vector<16xf32>,
        %swap3A_594 = vector.shape_cast %swap3A_593 : vector<16xf32> to vector<16xf32>
        %swap3A_595 = vector.shape_cast %add3A_591 : vector<16xf32> to vector<16xf32>
        tpu.vector_store %arg5[%swap3A_592], %swap3A_595 {strides = array<i32>} : memref<32768xf32, #tpu.memory_space<vmem>>, vector<16xf32>,
        %add3A_596 = arith.constant 704 : i32
        %add3A_597 = arith.addi %mul3A_25, %add3A_596 : i32
        %get3A_598 = arith.index_cast %add3A_597 : i32 to index
        %get3A_599 = tpu.vector_load %arg5[%get3A_598] {strides = array<i32>} : memref<32768xf32, #tpu.memory_space<vmem>>, vector<16xf32>,
        %get3A_600 = vector.shape_cast %get3A_599 : vector<16xf32> to vector<16xf32>
        %get3A_601 = arith.index_cast %add3A_597 : i32 to index
        %get3A_602 = tpu.vector_load %arg6[%get3A_601] {strides = array<i32>} : memref<32768xf32, #tpu.memory_space<vmem>>, vector<16xf32>,
        %get3A_603 = vector.shape_cast %get3A_602 : vector<16xf32> to vector<16xf32>
        %add3A_604 = arith.addf %get3A_600, %get3A_603 : vector<16xf32>
        %swap3A_605 = arith.index_cast %add3A_597 : i32 to index
        %swap3A_606 = tpu.vector_load %arg5[%swap3A_605] {strides = array<i32>} : memref<32768xf32, #tpu.memory_space<vmem>>, vector<16xf32>,
        %swap3A_607 = vector.shape_cast %swap3A_606 : vector<16xf32> to vector<16xf32>
        %swap3A_608 = vector.shape_cast %add3A_604 : vector<16xf32> to vector<16xf32>
        tpu.vector_store %arg5[%swap3A_605], %swap3A_608 {strides = array<i32>} : memref<32768xf32, #tpu.memory_space<vmem>>, vector<16xf32>,
        %add3A_609 = arith.constant 720 : i32
        %add3A_610 = arith.addi %mul3A_25, %add3A_609 : i32
        %get3A_611 = arith.index_cast %add3A_610 : i32 to index
        %get3A_612 = tpu.vector_load %arg5[%get3A_611] {strides = array<i32>} : memref<32768xf32, #tpu.memory_space<vmem>>, vector<16xf32>,
        %get3A_613 = vector.shape_cast %get3A_612 : vector<16xf32> to vector<16xf32>
        %get3A_614 = arith.index_cast %add3A_610 : i32 to index
        %get3A_615 = tpu.vector_load %arg6[%get3A_614] {strides = array<i32>} : memref<32768xf32, #tpu.memory_space<vmem>>, vector<16xf32>,
        %get3A_616 = vector.shape_cast %get3A_615 : vector<16xf32> to vector<16xf32>
        %add3A_617 = arith.addf %get3A_613, %get3A_616 : vector<16xf32>
        %swap3A_618 = arith.index_cast %add3A_610 : i32 to index
        %swap3A_619 = tpu.vector_load %arg5[%swap3A_618] {strides = array<i32>} : memref<32768xf32, #tpu.memory_space<vmem>>, vector<16xf32>,
        %swap3A_620 = vector.shape_cast %swap3A_619 : vector<16xf32> to vector<16xf32>
        %swap3A_621 = vector.shape_cast %add3A_617 : vector<16xf32> to vector<16xf32>
        tpu.vector_store %arg5[%swap3A_618], %swap3A_621 {strides = array<i32>} : memref<32768xf32, #tpu.memory_space<vmem>>, vector<16xf32>,
        %add3A_622 = arith.constant 736 : i32
        %add3A_623 = arith.addi %mul3A_25, %add3A_622 : i32
        %get3A_624 = arith.index_cast %add3A_623 : i32 to index
        %get3A_625 = tpu.vector_load %arg5[%get3A_624] {strides = array<i32>} : memref<32768xf32, #tpu.memory_space<vmem>>, vector<16xf32>,
        %get3A_626 = vector.shape_cast %get3A_625 : vector<16xf32> to vector<16xf32>
        %get3A_627 = arith.index_cast %add3A_623 : i32 to index
        %get3A_628 = tpu.vector_load %arg6[%get3A_627] {strides = array<i32>} : memref<32768xf32, #tpu.memory_space<vmem>>, vector<16xf32>,
        %get3A_629 = vector.shape_cast %get3A_628 : vector<16xf32> to vector<16xf32>
        %add3A_630 = arith.addf %get3A_626, %get3A_629 : vector<16xf32>
        %swap3A_631 = arith.index_cast %add3A_623 : i32 to index
        %swap3A_632 = tpu.vector_load %arg5[%swap3A_631] {strides = array<i32>} : memref<32768xf32, #tpu.memory_space<vmem>>, vector<16xf32>,
        %swap3A_633 = vector.shape_cast %swap3A_632 : vector<16xf32> to vector<16xf32>
        %swap3A_634 = vector.shape_cast %add3A_630 : vector<16xf32> to vector<16xf32>
        tpu.vector_store %arg5[%swap3A_631], %swap3A_634 {strides = array<i32>} : memref<32768xf32, #tpu.memory_space<vmem>>, vector<16xf32>,
        %add3A_635 = arith.constant 752 : i32
        %add3A_636 = arith.addi %mul3A_25, %add3A_635 : i32
        %get3A_637 = arith.index_cast %add3A_636 : i32 to index
        %get3A_638 = tpu.vector_load %arg5[%get3A_637] {strides = array<i32>} : memref<32768xf32, #tpu.memory_space<vmem>>, vector<16xf32>,
        %get3A_639 = vector.shape_cast %get3A_638 : vector<16xf32> to vector<16xf32>
        %get3A_640 = arith.index_cast %add3A_636 : i32 to index
        %get3A_641 = tpu.vector_load %arg6[%get3A_640] {strides = array<i32>} : memref<32768xf32, #tpu.memory_space<vmem>>, vector<16xf32>,
        %get3A_642 = vector.shape_cast %get3A_641 : vector<16xf32> to vector<16xf32>
        %add3A_643 = arith.addf %get3A_639, %get3A_642 : vector<16xf32>
        %swap3A_644 = arith.index_cast %add3A_636 : i32 to index
        %swap3A_645 = tpu.vector_load %arg5[%swap3A_644] {strides = array<i32>} : memref<32768xf32, #tpu.memory_space<vmem>>, vector<16xf32>,
        %swap3A_646 = vector.shape_cast %swap3A_645 : vector<16xf32> to vector<16xf32>
        %swap3A_647 = vector.shape_cast %add3A_643 : vector<16xf32> to vector<16xf32>
        tpu.vector_store %arg5[%swap3A_644], %swap3A_647 {strides = array<i32>} : memref<32768xf32, #tpu.memory_space<vmem>>, vector<16xf32>,
        %add3A_648 = arith.constant 768 : i32
        %add3A_649 = arith.addi %mul3A_25, %add3A_648 : i32
        %get3A_650 = arith.index_cast %add3A_649 : i32 to index
        %get3A_651 = tpu.vector_load %arg5[%get3A_650] {strides = array<i32>} : memref<32768xf32, #tpu.memory_space<vmem>>, vector<16xf32>,
        %get3A_652 = vector.shape_cast %get3A_651 : vector<16xf32> to vector<16xf32>
        %get3A_653 = arith.index_cast %add3A_649 : i32 to index
        %get3A_654 = tpu.vector_load %arg6[%get3A_653] {strides = array<i32>} : memref<32768xf32, #tpu.memory_space<vmem>>, vector<16xf32>,
        %get3A_655 = vector.shape_cast %get3A_654 : vector<16xf32> to vector<16xf32>
        %add3A_656 = arith.addf %get3A_652, %get3A_655 : vector<16xf32>
        %swap3A_657 = arith.index_cast %add3A_649 : i32 to index
        %swap3A_658 = tpu.vector_load %arg5[%swap3A_657] {strides = array<i32>} : memref<32768xf32, #tpu.memory_space<vmem>>, vector<16xf32>,
        %swap3A_659 = vector.shape_cast %swap3A_658 : vector<16xf32> to vector<16xf32>
        %swap3A_660 = vector.shape_cast %add3A_656 : vector<16xf32> to vector<16xf32>
        tpu.vector_store %arg5[%swap3A_657], %swap3A_660 {strides = array<i32>} : memref<32768xf32, #tpu.memory_space<vmem>>, vector<16xf32>,
        %add3A_661 = arith.constant 784 : i32
        %add3A_662 = arith.addi %mul3A_25, %add3A_661 : i32
        %get3A_663 = arith.index_cast %add3A_662 : i32 to index
        %get3A_664 = tpu.vector_load %arg5[%get3A_663] {strides = array<i32>} : memref<32768xf32, #tpu.memory_space<vmem>>, vector<16xf32>,
        %get3A_665 = vector.shape_cast %get3A_664 : vector<16xf32> to vector<16xf32>
        %get3A_666 = arith.index_cast %add3A_662 : i32 to index
        %get3A_667 = tpu.vector_load %arg6[%get3A_666] {strides = array<i32>} : memref<32768xf32, #tpu.memory_space<vmem>>, vector<16xf32>,
        %get3A_668 = vector.shape_cast %get3A_667 : vector<16xf32> to vector<16xf32>
        %add3A_669 = arith.addf %get3A_665, %get3A_668 : vector<16xf32>
        %swap3A_670 = arith.index_cast %add3A_662 : i32 to index
        %swap3A_671 = tpu.vector_load %arg5[%swap3A_670] {strides = array<i32>} : memref<32768xf32, #tpu.memory_space<vmem>>, vector<16xf32>,
        %swap3A_672 = vector.shape_cast %swap3A_671 : vector<16xf32> to vector<16xf32>
        %swap3A_673 = vector.shape_cast %add3A_669 : vector<16xf32> to vector<16xf32>
        tpu.vector_store %arg5[%swap3A_670], %swap3A_673 {strides = array<i32>} : memref<32768xf32, #tpu.memory_space<vmem>>, vector<16xf32>,
        %add3A_674 = arith.constant 800 : i32
        %add3A_675 = arith.addi %mul3A_25, %add3A_674 : i32
        %get3A_676 = arith.index_cast %add3A_675 : i32 to index
        %get3A_677 = tpu.vector_load %arg5[%get3A_676] {strides = array<i32>} : memref<32768xf32, #tpu.memory_space<vmem>>, vector<16xf32>,
        %get3A_678 = vector.shape_cast %get3A_677 : vector<16xf32> to vector<16xf32>
        %get3A_679 = arith.index_cast %add3A_675 : i32 to index
        %get3A_680 = tpu.vector_load %arg6[%get3A_679] {strides = array<i32>} : memref<32768xf32, #tpu.memory_space<vmem>>, vector<16xf32>,
        %get3A_681 = vector.shape_cast %get3A_680 : vector<16xf32> to vector<16xf32>
        %add3A_682 = arith.addf %get3A_678, %get3A_681 : vector<16xf32>
        %swap3A_683 = arith.index_cast %add3A_675 : i32 to index
        %swap3A_684 = tpu.vector_load %arg5[%swap3A_683] {strides = array<i32>} : memref<32768xf32, #tpu.memory_space<vmem>>, vector<16xf32>,
        %swap3A_685 = vector.shape_cast %swap3A_684 : vector<16xf32> to vector<16xf32>
        %swap3A_686 = vector.shape_cast %add3A_682 : vector<16xf32> to vector<16xf32>
        tpu.vector_store %arg5[%swap3A_683], %swap3A_686 {strides = array<i32>} : memref<32768xf32, #tpu.memory_space<vmem>>, vector<16xf32>,
        %add3A_687 = arith.constant 816 : i32
        %add3A_688 = arith.addi %mul3A_25, %add3A_687 : i32
        %get3A_689 = arith.index_cast %add3A_688 : i32 to index
        %get3A_690 = tpu.vector_load %arg5[%get3A_689] {strides = array<i32>} : memref<32768xf32, #tpu.memory_space<vmem>>, vector<16xf32>,
        %get3A_691 = vector.shape_cast %get3A_690 : vector<16xf32> to vector<16xf32>
        %get3A_692 = arith.index_cast %add3A_688 : i32 to index
        %get3A_693 = tpu.vector_load %arg6[%get3A_692] {strides = array<i32>} : memref<32768xf32, #tpu.memory_space<vmem>>, vector<16xf32>,
        %get3A_694 = vector.shape_cast %get3A_693 : vector<16xf32> to vector<16xf32>
        %add3A_695 = arith.addf %get3A_691, %get3A_694 : vector<16xf32>
        %swap3A_696 = arith.index_cast %add3A_688 : i32 to index
        %swap3A_697 = tpu.vector_load %arg5[%swap3A_696] {strides = array<i32>} : memref<32768xf32, #tpu.memory_space<vmem>>, vector<16xf32>,
        %swap3A_698 = vector.shape_cast %swap3A_697 : vector<16xf32> to vector<16xf32>
        %swap3A_699 = vector.shape_cast %add3A_695 : vector<16xf32> to vector<16xf32>
        tpu.vector_store %arg5[%swap3A_696], %swap3A_699 {strides = array<i32>} : memref<32768xf32, #tpu.memory_space<vmem>>, vector<16xf32>,
        %add3A_700 = arith.constant 832 : i32
        %add3A_701 = arith.addi %mul3A_25, %add3A_700 : i32
        %get3A_702 = arith.index_cast %add3A_701 : i32 to index
        %get3A_703 = tpu.vector_load %arg5[%get3A_702] {strides = array<i32>} : memref<32768xf32, #tpu.memory_space<vmem>>, vector<16xf32>,
        %get3A_704 = vector.shape_cast %get3A_703 : vector<16xf32> to vector<16xf32>
        %get3A_705 = arith.index_cast %add3A_701 : i32 to index
        %get3A_706 = tpu.vector_load %arg6[%get3A_705] {strides = array<i32>} : memref<32768xf32, #tpu.memory_space<vmem>>, vector<16xf32>,
        %get3A_707 = vector.shape_cast %get3A_706 : vector<16xf32> to vector<16xf32>
        %add3A_708 = arith.addf %get3A_704, %get3A_707 : vector<16xf32>
        %swap3A_709 = arith.index_cast %add3A_701 : i32 to index
        %swap3A_710 = tpu.vector_load %arg5[%swap3A_709] {strides = array<i32>} : memref<32768xf32, #tpu.memory_space<vmem>>, vector<16xf32>,
        %swap3A_711 = vector.shape_cast %swap3A_710 : vector<16xf32> to vector<16xf32>
        %swap3A_712 = vector.shape_cast %add3A_708 : vector<16xf32> to vector<16xf32>
        tpu.vector_store %arg5[%swap3A_709], %swap3A_712 {strides = array<i32>} : memref<32768xf32, #tpu.memory_space<vmem>>, vector<16xf32>,
        %add3A_713 = arith.constant 848 : i32
        %add3A_714 = arith.addi %mul3A_25, %add3A_713 : i32
        %get3A_715 = arith.index_cast %add3A_714 : i32 to index
        %get3A_716 = tpu.vector_load %arg5[%get3A_715] {strides = array<i32>} : memref<32768xf32, #tpu.memory_space<vmem>>, vector<16xf32>,
        %get3A_717 = vector.shape_cast %get3A_716 : vector<16xf32> to vector<16xf32>
        %get3A_718 = arith.index_cast %add3A_714 : i32 to index
        %get3A_719 = tpu.vector_load %arg6[%get3A_718] {strides = array<i32>} : memref<32768xf32, #tpu.memory_space<vmem>>, vector<16xf32>,
        %get3A_720 = vector.shape_cast %get3A_719 : vector<16xf32> to vector<16xf32>
        %add3A_721 = arith.addf %get3A_717, %get3A_720 : vector<16xf32>
        %swap3A_722 = arith.index_cast %add3A_714 : i32 to index
        %swap3A_723 = tpu.vector_load %arg5[%swap3A_722] {strides = array<i32>} : memref<32768xf32, #tpu.memory_space<vmem>>, vector<16xf32>,
        %swap3A_724 = vector.shape_cast %swap3A_723 : vector<16xf32> to vector<16xf32>
        %swap3A_725 = vector.shape_cast %add3A_721 : vector<16xf32> to vector<16xf32>
        tpu.vector_store %arg5[%swap3A_722], %swap3A_725 {strides = array<i32>} : memref<32768xf32, #tpu.memory_space<vmem>>, vector<16xf32>,
        %add3A_726 = arith.constant 864 : i32
        %add3A_727 = arith.addi %mul3A_25, %add3A_726 : i32
        %get3A_728 = arith.index_cast %add3A_727 : i32 to index
        %get3A_729 = tpu.vector_load %arg5[%get3A_728] {strides = array<i32>} : memref<32768xf32, #tpu.memory_space<vmem>>, vector<16xf32>,
        %get3A_730 = vector.shape_cast %get3A_729 : vector<16xf32> to vector<16xf32>
        %get3A_731 = arith.index_cast %add3A_727 : i32 to index
        %get3A_732 = tpu.vector_load %arg6[%get3A_731] {strides = array<i32>} : memref<32768xf32, #tpu.memory_space<vmem>>, vector<16xf32>,
        %get3A_733 = vector.shape_cast %get3A_732 : vector<16xf32> to vector<16xf32>
        %add3A_734 = arith.addf %get3A_730, %get3A_733 : vector<16xf32>
        %swap3A_735 = arith.index_cast %add3A_727 : i32 to index
        %swap3A_736 = tpu.vector_load %arg5[%swap3A_735] {strides = array<i32>} : memref<32768xf32, #tpu.memory_space<vmem>>, vector<16xf32>,
        %swap3A_737 = vector.shape_cast %swap3A_736 : vector<16xf32> to vector<16xf32>
        %swap3A_738 = vector.shape_cast %add3A_734 : vector<16xf32> to vector<16xf32>
        tpu.vector_store %arg5[%swap3A_735], %swap3A_738 {strides = array<i32>} : memref<32768xf32, #tpu.memory_space<vmem>>, vector<16xf32>,
        %add3A_739 = arith.constant 880 : i32
        %add3A_740 = arith.addi %mul3A_25, %add3A_739 : i32
        %get3A_741 = arith.index_cast %add3A_740 : i32 to index
        %get3A_742 = tpu.vector_load %arg5[%get3A_741] {strides = array<i32>} : memref<32768xf32, #tpu.memory_space<vmem>>, vector<16xf32>,
        %get3A_743 = vector.shape_cast %get3A_742 : vector<16xf32> to vector<16xf32>
        %get3A_744 = arith.index_cast %add3A_740 : i32 to index
        %get3A_745 = tpu.vector_load %arg6[%get3A_744] {strides = array<i32>} : memref<32768xf32, #tpu.memory_space<vmem>>, vector<16xf32>,
        %get3A_746 = vector.shape_cast %get3A_745 : vector<16xf32> to vector<16xf32>
        %add3A_747 = arith.addf %get3A_743, %get3A_746 : vector<16xf32>
        %swap3A_748 = arith.index_cast %add3A_740 : i32 to index
        %swap3A_749 = tpu.vector_load %arg5[%swap3A_748] {strides = array<i32>} : memref<32768xf32, #tpu.memory_space<vmem>>, vector<16xf32>,
        %swap3A_750 = vector.shape_cast %swap3A_749 : vector<16xf32> to vector<16xf32>
        %swap3A_751 = vector.shape_cast %add3A_747 : vector<16xf32> to vector<16xf32>
        tpu.vector_store %arg5[%swap3A_748], %swap3A_751 {strides = array<i32>} : memref<32768xf32, #tpu.memory_space<vmem>>, vector<16xf32>,
        %add3A_752 = arith.constant 896 : i32
        %add3A_753 = arith.addi %mul3A_25, %add3A_752 : i32
        %get3A_754 = arith.index_cast %add3A_753 : i32 to index
        %get3A_755 = tpu.vector_load %arg5[%get3A_754] {strides = array<i32>} : memref<32768xf32, #tpu.memory_space<vmem>>, vector<16xf32>,
        %get3A_756 = vector.shape_cast %get3A_755 : vector<16xf32> to vector<16xf32>
        %get3A_757 = arith.index_cast %add3A_753 : i32 to index
        %get3A_758 = tpu.vector_load %arg6[%get3A_757] {strides = array<i32>} : memref<32768xf32, #tpu.memory_space<vmem>>, vector<16xf32>,
        %get3A_759 = vector.shape_cast %get3A_758 : vector<16xf32> to vector<16xf32>
        %add3A_760 = arith.addf %get3A_756, %get3A_759 : vector<16xf32>
        %swap3A_761 = arith.index_cast %add3A_753 : i32 to index
        %swap3A_762 = tpu.vector_load %arg5[%swap3A_761] {strides = array<i32>} : memref<32768xf32, #tpu.memory_space<vmem>>, vector<16xf32>,
        %swap3A_763 = vector.shape_cast %swap3A_762 : vector<16xf32> to vector<16xf32>
        %swap3A_764 = vector.shape_cast %add3A_760 : vector<16xf32> to vector<16xf32>
        tpu.vector_store %arg5[%swap3A_761], %swap3A_764 {strides = array<i32>} : memref<32768xf32, #tpu.memory_space<vmem>>, vector<16xf32>,
        %add3A_765 = arith.constant 912 : i32
        %add3A_766 = arith.addi %mul3A_25, %add3A_765 : i32
        %get3A_767 = arith.index_cast %add3A_766 : i32 to index
        %get3A_768 = tpu.vector_load %arg5[%get3A_767] {strides = array<i32>} : memref<32768xf32, #tpu.memory_space<vmem>>, vector<16xf32>,
        %get3A_769 = vector.shape_cast %get3A_768 : vector<16xf32> to vector<16xf32>
        %get3A_770 = arith.index_cast %add3A_766 : i32 to index
        %get3A_771 = tpu.vector_load %arg6[%get3A_770] {strides = array<i32>} : memref<32768xf32, #tpu.memory_space<vmem>>, vector<16xf32>,
        %get3A_772 = vector.shape_cast %get3A_771 : vector<16xf32> to vector<16xf32>
        %add3A_773 = arith.addf %get3A_769, %get3A_772 : vector<16xf32>
        %swap3A_774 = arith.index_cast %add3A_766 : i32 to index
        %swap3A_775 = tpu.vector_load %arg5[%swap3A_774] {strides = array<i32>} : memref<32768xf32, #tpu.memory_space<vmem>>, vector<16xf32>,
        %swap3A_776 = vector.shape_cast %swap3A_775 : vector<16xf32> to vector<16xf32>
        %swap3A_777 = vector.shape_cast %add3A_773 : vector<16xf32> to vector<16xf32>
        tpu.vector_store %arg5[%swap3A_774], %swap3A_777 {strides = array<i32>} : memref<32768xf32, #tpu.memory_space<vmem>>, vector<16xf32>,
        %add3A_778 = arith.constant 928 : i32
        %add3A_779 = arith.addi %mul3A_25, %add3A_778 : i32
        %get3A_780 = arith.index_cast %add3A_779 : i32 to index
        %get3A_781 = tpu.vector_load %arg5[%get3A_780] {strides = array<i32>} : memref<32768xf32, #tpu.memory_space<vmem>>, vector<16xf32>,
        %get3A_782 = vector.shape_cast %get3A_781 : vector<16xf32> to vector<16xf32>
        %get3A_783 = arith.index_cast %add3A_779 : i32 to index
        %get3A_784 = tpu.vector_load %arg6[%get3A_783] {strides = array<i32>} : memref<32768xf32, #tpu.memory_space<vmem>>, vector<16xf32>,
        %get3A_785 = vector.shape_cast %get3A_784 : vector<16xf32> to vector<16xf32>
        %add3A_786 = arith.addf %get3A_782, %get3A_785 : vector<16xf32>
        %swap3A_787 = arith.index_cast %add3A_779 : i32 to index
        %swap3A_788 = tpu.vector_load %arg5[%swap3A_787] {strides = array<i32>} : memref<32768xf32, #tpu.memory_space<vmem>>, vector<16xf32>,
        %swap3A_789 = vector.shape_cast %swap3A_788 : vector<16xf32> to vector<16xf32>
        %swap3A_790 = vector.shape_cast %add3A_786 : vector<16xf32> to vector<16xf32>
        tpu.vector_store %arg5[%swap3A_787], %swap3A_790 {strides = array<i32>} : memref<32768xf32, #tpu.memory_space<vmem>>, vector<16xf32>,
        %add3A_791 = arith.constant 944 : i32
        %add3A_792 = arith.addi %mul3A_25, %add3A_791 : i32
        %get3A_793 = arith.index_cast %add3A_792 : i32 to index
        %get3A_794 = tpu.vector_load %arg5[%get3A_793] {strides = array<i32>} : memref<32768xf32, #tpu.memory_space<vmem>>, vector<16xf32>,
        %get3A_795 = vector.shape_cast %get3A_794 : vector<16xf32> to vector<16xf32>
        %get3A_796 = arith.index_cast %add3A_792 : i32 to index
        %get3A_797 = tpu.vector_load %arg6[%get3A_796] {strides = array<i32>} : memref<32768xf32, #tpu.memory_space<vmem>>, vector<16xf32>,
        %get3A_798 = vector.shape_cast %get3A_797 : vector<16xf32> to vector<16xf32>
        %add3A_799 = arith.addf %get3A_795, %get3A_798 : vector<16xf32>
        %swap3A_800 = arith.index_cast %add3A_792 : i32 to index
        %swap3A_801 = tpu.vector_load %arg5[%swap3A_800] {strides = array<i32>} : memref<32768xf32, #tpu.memory_space<vmem>>, vector<16xf32>,
        %swap3A_802 = vector.shape_cast %swap3A_801 : vector<16xf32> to vector<16xf32>
        %swap3A_803 = vector.shape_cast %add3A_799 : vector<16xf32> to vector<16xf32>
        tpu.vector_store %arg5[%swap3A_800], %swap3A_803 {strides = array<i32>} : memref<32768xf32, #tpu.memory_space<vmem>>, vector<16xf32>,
        %add3A_804 = arith.constant 960 : i32
        %add3A_805 = arith.addi %mul3A_25, %add3A_804 : i32
        %get3A_806 = arith.index_cast %add3A_805 : i32 to index
        %get3A_807 = tpu.vector_load %arg5[%get3A_806] {strides = array<i32>} : memref<32768xf32, #tpu.memory_space<vmem>>, vector<16xf32>,
        %get3A_808 = vector.shape_cast %get3A_807 : vector<16xf32> to vector<16xf32>
        %get3A_809 = arith.index_cast %add3A_805 : i32 to index
        %get3A_810 = tpu.vector_load %arg6[%get3A_809] {strides = array<i32>} : memref<32768xf32, #tpu.memory_space<vmem>>, vector<16xf32>,
        %get3A_811 = vector.shape_cast %get3A_810 : vector<16xf32> to vector<16xf32>
        %add3A_812 = arith.addf %get3A_808, %get3A_811 : vector<16xf32>
        %swap3A_813 = arith.index_cast %add3A_805 : i32 to index
        %swap3A_814 = tpu.vector_load %arg5[%swap3A_813] {strides = array<i32>} : memref<32768xf32, #tpu.memory_space<vmem>>, vector<16xf32>,
        %swap3A_815 = vector.shape_cast %swap3A_814 : vector<16xf32> to vector<16xf32>
        %swap3A_816 = vector.shape_cast %add3A_812 : vector<16xf32> to vector<16xf32>
        tpu.vector_store %arg5[%swap3A_813], %swap3A_816 {strides = array<i32>} : memref<32768xf32, #tpu.memory_space<vmem>>, vector<16xf32>,
        %add3A_817 = arith.constant 976 : i32
        %add3A_818 = arith.addi %mul3A_25, %add3A_817 : i32
        %get3A_819 = arith.index_cast %add3A_818 : i32 to index
        %get3A_820 = tpu.vector_load %arg5[%get3A_819] {strides = array<i32>} : memref<32768xf32, #tpu.memory_space<vmem>>, vector<16xf32>,
        %get3A_821 = vector.shape_cast %get3A_820 : vector<16xf32> to vector<16xf32>
        %get3A_822 = arith.index_cast %add3A_818 : i32 to index
        %get3A_823 = tpu.vector_load %arg6[%get3A_822] {strides = array<i32>} : memref<32768xf32, #tpu.memory_space<vmem>>, vector<16xf32>,
        %get3A_824 = vector.shape_cast %get3A_823 : vector<16xf32> to vector<16xf32>
        %add3A_825 = arith.addf %get3A_821, %get3A_824 : vector<16xf32>
        %swap3A_826 = arith.index_cast %add3A_818 : i32 to index
        %swap3A_827 = tpu.vector_load %arg5[%swap3A_826] {strides = array<i32>} : memref<32768xf32, #tpu.memory_space<vmem>>, vector<16xf32>,
        %swap3A_828 = vector.shape_cast %swap3A_827 : vector<16xf32> to vector<16xf32>
        %swap3A_829 = vector.shape_cast %add3A_825 : vector<16xf32> to vector<16xf32>
        tpu.vector_store %arg5[%swap3A_826], %swap3A_829 {strides = array<i32>} : memref<32768xf32, #tpu.memory_space<vmem>>, vector<16xf32>,
        %add3A_830 = arith.constant 992 : i32
        %add3A_831 = arith.addi %mul3A_25, %add3A_830 : i32
        %get3A_832 = arith.index_cast %add3A_831 : i32 to index
        %get3A_833 = tpu.vector_load %arg5[%get3A_832] {strides = array<i32>} : memref<32768xf32, #tpu.memory_space<vmem>>, vector<16xf32>,
        %get3A_834 = vector.shape_cast %get3A_833 : vector<16xf32> to vector<16xf32>
        %get3A_835 = arith.index_cast %add3A_831 : i32 to index
        %get3A_836 = tpu.vector_load %arg6[%get3A_835] {strides = array<i32>} : memref<32768xf32, #tpu.memory_space<vmem>>, vector<16xf32>,
        %get3A_837 = vector.shape_cast %get3A_836 : vector<16xf32> to vector<16xf32>
        %add3A_838 = arith.addf %get3A_834, %get3A_837 : vector<16xf32>
        %swap3A_839 = arith.index_cast %add3A_831 : i32 to index
        %swap3A_840 = tpu.vector_load %arg5[%swap3A_839] {strides = array<i32>} : memref<32768xf32, #tpu.memory_space<vmem>>, vector<16xf32>,
        %swap3A_841 = vector.shape_cast %swap3A_840 : vector<16xf32> to vector<16xf32>
        %swap3A_842 = vector.shape_cast %add3A_838 : vector<16xf32> to vector<16xf32>
        tpu.vector_store %arg5[%swap3A_839], %swap3A_842 {strides = array<i32>} : memref<32768xf32, #tpu.memory_space<vmem>>, vector<16xf32>,
        %add3A_843 = arith.constant 1008 : i32
        %add3A_844 = arith.addi %mul3A_25, %add3A_843 : i32
        %get3A_845 = arith.index_cast %add3A_844 : i32 to index
        %get3A_846 = tpu.vector_load %arg5[%get3A_845] {strides = array<i32>} : memref<32768xf32, #tpu.memory_space<vmem>>, vector<16xf32>,
        %get3A_847 = vector.shape_cast %get3A_846 : vector<16xf32> to vector<16xf32>
        %get3A_848 = arith.index_cast %add3A_844 : i32 to index
        %get3A_849 = tpu.vector_load %arg6[%get3A_848] {strides = array<i32>} : memref<32768xf32, #tpu.memory_space<vmem>>, vector<16xf32>,
        %get3A_850 = vector.shape_cast %get3A_849 : vector<16xf32> to vector<16xf32>
        %add3A_851 = arith.addf %get3A_847, %get3A_850 : vector<16xf32>
        %swap3A_852 = arith.index_cast %add3A_844 : i32 to index
        %swap3A_853 = tpu.vector_load %arg5[%swap3A_852] {strides = array<i32>} : memref<32768xf32, #tpu.memory_space<vmem>>, vector<16xf32>,
        %swap3A_854 = vector.shape_cast %swap3A_853 : vector<16xf32> to vector<16xf32>
        %swap3A_855 = vector.shape_cast %add3A_851 : vector<16xf32> to vector<16xf32>
        tpu.vector_store %arg5[%swap3A_852], %swap3A_855 {strides = array<i32>} : memref<32768xf32, #tpu.memory_space<vmem>>, vector<16xf32>,
      }
      %scan3A_22 = arith.constant 32 : i32
      "tpu.region"() ({
        %run_scoped3A = tpu.sem_alloc : memref<!tpu.dma_semaphore, #tpu.memory_space<semaphore_mem>>
        %dma_start3A = tpu.memref_slice %arg4[%mul3A_13] : memref<16777216xf32, #tpu.memory_space<hbm>> -> memref<32768xf32, #tpu.memory_space<hbm>>
        %dma_start3A_23 = tpu.memref_slice %arg4[%mul3A_13] : memref<16777216xf32, #tpu.memory_space<hbm>> -> memref<32768xf32, #tpu.memory_space<hbm>>
        tpu.enqueue_dma source(%arg5 : memref<32768xf32, #tpu.memory_space<vmem>>) target(%dma_start3A_23 : memref<32768xf32, #tpu.memory_space<hbm>>) target_semaphore(%run_scoped3A : memref<!tpu.dma_semaphore, #tpu.memory_space<semaphore_mem>>)
        %dma_wait3A = tpu.memref_slice %arg4[%mul3A_13] : memref<16777216xf32, #tpu.memory_space<hbm>> -> memref<32768xf32, #tpu.memory_space<hbm>>
        %dma_wait3A_24 = tpu.memref_slice %arg4[%mul3A_13] : memref<16777216xf32, #tpu.memory_space<hbm>> -> memref<32768xf32, #tpu.memory_space<hbm>>
        tpu.wait_dma2 semaphore(%run_scoped3A : memref<!tpu.dma_semaphore, #tpu.memory_space<semaphore_mem>>) src(%arg5 : memref<32768xf32, #tpu.memory_space<vmem>>) dst(%dma_wait3A_24 : memref<32768xf32, #tpu.memory_space<hbm>>)
        tpu.yield
      }) : () -> ()
    }
    %scan3A_7 = arith.constant 16 : i32
    return
  }
}

</mosaic_0001>

<sc_bundles>
// kernel: kernel.3.cloned.1.call-start
scs
__scs_entry_jumppad:
0x0: {  	(pc) =	sbr.rel $0x88, $3  }
0x1: {  	(tag) =	ssettag $0x0;
	lr =	simm.s32 $0x1  }
0x2: {  	[smem:$0x3F9F] =	sst lr;
	_ =	strace $0xD0000000  }
0x3: {  	_ = 	snop  }
0x4: {  	_ = 	snop  }
0x5: {  	_ = 	snop  }
0x6: {  	_ = 	snop  }
0x7: {  	_ = 	snop  }
__scs_overlays_trampoline_lowered:
0x8: {  	[smem:$0x3FAE] =	sst s0  }
0x9: {  	[smem:$0x3FAF] =	sst s1  }
0xa: {  	[smem:$0x3FB0] =	sst s2  }
0xb: {  	[smem:$0x3FB1] =	sst s3  }
0xc: {  	[smem:$0x3FB2] =	sst s4  }
0xd: {  	[smem:$0x3FB3] =	sst s5  }
0xe: {  	[smem:$0x3FB4] =	sst s6  }
0xf: {  	[smem:$0x3FB5] =	sst s7  }
0x10: {  	[smem:$0x3FB6] =	sst s8  }
0x11: {  	[smem:$0x3FB7] =	sst s9;
	s0 =	simm.s32 @!p0 $0x0  }
0x12: {  	s1 =	sld [smem:$0x3F9D];
	s0 =	simm.s32 @p0 $0x1  }
0x13: {  	[smem:$0x3FB8] =	sst s0;
	s0 =	simm.s32 @!p1 $0x0  }
0x14: {  	s2 =	sld [smem:$0x3F9C];
	s0 =	simm.s32 @p1 $0x1  }
0x15: {  	[smem:$0x3FB9] =	sst s0;
	s0 =	simm.s32 @!p2 $0x0  }
0x16: {  	s3 =	sld [smem:$0x3FDB];
	s0 =	simm.s32 @p2 $0x1  }
0x17: {  	s4 =	simm.s32 $0x1BF5;
	[smem:$0x3FBB] =	sst s0  }
0x18: {  	s0 =	sld [smem:$0x3F9E];
	_ =	swait.ge [sflag:s4], $0x0  }
0x19: {  	s7 =	sld [smem:$0x3F9F]  }
0x1a: {  	s8 =	sadd.s32 $0xFFFFE003, lr  }
0x1b: {  	s9 =	sadd.s32 $0xFFFFFEF7, lr;
	s5 =	simm.s32 $0xFFFFFFFF;
	p2 =	slt.u32 s8, $0xFFFFF086  }
0x1c: {  	p1 =	slt.u32 s9, $0xF7A;
	s5 =	simm.s32 @!p2 $0x0  }
0x1d: {  	s5 =	simm.s32 @p1 $0x1;
	p0 =	seq.s32 s7, s2  }
0x1e: {  	s7 =	smul.u32 @!p0 $0xF7A, s2;
	p2 =	seq.s32 @!p0 s5, $0x0  }
0x1f: {  	s9 =	smul.u32 $0xF7A, s1;
	s8 =	simm.s32 @!p0 $0x1BF5;
	p2 =	por !p2, p0  }
0x20: {  	[sflag:s8] =	ssyncset.s32 @!p0 $0xFFFFF086;
	s6 =	sadd.s32 @!p0 s3, s7;
	s7 =	simm.s32 @!p0 $0x108  }
0x21: {  	s3 =	sadd.s32 s3, s9;
	s6 =	sadd.s32 @!p0 $0x88, s6;
	s7 =	simm.s32 @p2 $0x1082  }
0x22: {  	[simem:s7], [sflag:s8] =	dma.local @!p0 [hbm:s6], $0xF7A  }
0x23: {  	s9 =	sor.u32 $0xD0000000, s2;
	s6 =	simm.s32 $0x108;
	_ =	swait.ge @!p0 [sflag:s8], $0x0  }
0x24: {  	s3 =	sadd.s32 $0x88, s3;
	s6 =	simm.s32 @!p1 $0x1082;
	[sflag:s4] =	ssyncset.s32 $0xFFFFF086  }
0x25: {  	[simem:s6], [sflag:s4] =	dma.local [hbm:s3], $0xF7A  }
0x26: {  	[smem:$0x3F9F] =	sst s1;
	(tag) =	ssettag s2;
	_ =	strace s9  }
0x27: {  	s1 =	sld [smem:$0x3FAF]  }
0x28: {  	s2 =	sld [smem:$0x3FB0]  }
0x29: {  	s4 =	sld [smem:$0x3FB2]  }
0x2a: {  	p0 =	seq.s32 s5, $0x0;
	s5 =	sld [smem:$0x3FB3]  }
0x2b: {  	s6 =	sld [smem:$0x3FB4]  }
0x2c: {  	s7 =	sld [smem:$0x3FB5]  }
0x2d: {  	s3 =	simm.s32 $0x108;
	s8 =	sld [smem:$0x3FB6]  }
0x2e: {  	s3 =	simm.s32 @!p0 $0x1082;
	s9 =	sld [smem:$0x3FB7]  }
0x2f: {  	lr =	sadd.s32 s0, s3;
	s0 =	sld [smem:$0x3FAE]  }
0x30: {  	s3 =	sld [smem:$0x3FB1]  }
0x31: {  	[smem:$0x3FBA] =	sst s10  }
0x32: {  	s10 =	sld [smem:$0x3FB8];
	_ =	sdelay $0x3  }
0x33: {  	p0 =	seq.s32 s10, $0x1;
	s10 =	sld [smem:$0x3FBA];
	_ =	sdelay $0x3  }
0x34: {  	[smem:$0x3FBA] =	sst s10  }
0x35: {  	s10 =	sld [smem:$0x3FB9];
	_ =	sdelay $0x3  }
0x36: {  	p1 =	seq.s32 s10, $0x1;
	s10 =	sld [smem:$0x3FBA];
	_ =	sdelay $0x3  }
0x37: {  	[smem:$0x3FBA] =	sst s10  }
0x38: {  	s10 =	sld [smem:$0x3FBB]  }
0x39: {  	_ = 	snop;
	(pc) =	sbr.ind lr, $3  }
0x3a: {  	_ = 	snop  }
0x3b: {  	_ = 	snop  }
0x3c: {  	p2 =	seq.s32 s10, $0x1;
	s10 =	sld [smem:$0x3FBA]  }
0x3d: {  	_ =	shalt  }
0x3e: {  	_ =	shalt  }
0x3f: {  	_ =	shalt  }
0x40: {  	_ =	shalt  }
0x41: {  	_ =	shalt  }
0x42: {  	_ =	shalt  }
0x43: {  	_ =	shalt  }
0x44: {  	_ =	shalt  }
0x45: {  	_ =	shalt  }
0x46: {  	_ =	shalt  }
0x47: {  	_ =	shalt  }
0x48: {  	_ =	shalt  }
0x49: {  	_ =	shalt  }
0x4a: {  	_ =	shalt  }
0x4b: {  	_ =	shalt  }
0x4c: {  	_ =	shalt  }
0x4d: {  	_ =	shalt  }
0x4e: {  	_ =	shalt  }
0x4f: {  	_ =	shalt  }
0x50: {  	_ =	shalt  }
0x51: {  	_ =	shalt  }
0x52: {  	_ =	shalt  }
0x53: {  	_ =	shalt  }
0x54: {  	_ =	shalt  }
0x55: {  	_ =	shalt  }
0x56: {  	_ =	shalt  }
0x57: {  	_ =	shalt  }
0x58: {  	_ =	shalt  }
0x59: {  	_ =	shalt  }
0x5a: {  	_ =	shalt  }
0x5b: {  	_ =	shalt  }
0x5c: {  	_ =	shalt  }
0x5d: {  	_ =	shalt  }
0x5e: {  	_ =	shalt  }
0x5f: {  	_ =	shalt  }
0x60: {  	_ =	shalt  }
0x61: {  	_ =	shalt  }
0x62: {  	_ =	shalt  }
0x63: {  	_ =	shalt  }
0x64: {  	_ =	shalt  }
0x65: {  	_ =	shalt  }
0x66: {  	_ =	shalt  }
0x67: {  	_ =	shalt  }
0x68: {  	_ =	shalt  }
0x69: {  	_ =	shalt  }
0x6a: {  	_ =	shalt  }
0x6b: {  	_ =	shalt  }
0x6c: {  	_ =	shalt  }
0x6d: {  	_ =	shalt  }
0x6e: {  	_ =	shalt  }
0x6f: {  	_ =	shalt  }
0x70: {  	_ =	shalt  }
0x71: {  	_ =	shalt  }
0x72: {  	_ =	shalt  }
0x73: {  	_ =	shalt  }
0x74: {  	_ =	shalt  }
0x75: {  	_ =	shalt  }
0x76: {  	_ =	shalt  }
0x77: {  	_ =	shalt  }
0x78: {  	_ =	shalt  }
0x79: {  	_ =	shalt  }
0x7a: {  	_ =	shalt  }
0x7b: {  	_ =	shalt  }
0x7c: {  	_ =	shalt  }
0x7d: {  	_ =	shalt  }
0x7e: {  	_ =	shalt  }
0x7f: {  	_ =	shalt  }
0x80: {  	_ =	shalt  }
0x81: {  	_ =	shalt  }
0x82: {  	_ =	shalt  }
0x83: {  	_ =	shalt  }
0x84: {  	_ =	shalt  }
0x85: {  	_ =	shalt  }
0x86: {  	_ =	shalt  }
0x87: {  	_ =	shalt  }
.Lfunc_end0:
.L_simem_size_0:
called_computation.1_lowered:
.L_overlay_start_0:
0x88: {  	s2 =	sld [smem:$0x3FD9]  }
0x89: {  	s3 =	sld [smem:$0x3FFE];
	_ =	sdelay $0x1  }
0x8a: {  	s1 =	srdreg.scid  }
0x8b: {  	s0 =	sand.u32 $0x1, s1  }
0x8c: {  	s17 =	sshll.u32 s0, $0xA;
	s2 =	sadd.s32 s3, s2  }
0x8d: {  	s2 =	sadd.s32 s2, s17  }
0x8e: {  	[smem:$0x3FC6] =	sst s2  }
0x8f: {  	_ = 	snop  }
0x90: {  	s2 =	sld [smem:$0x3FD0];
	(tm) =	ssettm $0x1  }
0x91: {  	s18 =	sld [smem:$0x3FFB];
	_ =	sdelay $0x3  }
0x92: {  	_ =	strace s18  }
0x93: {  	s3 =	sld [smem:$0x3FFC];
	_ =	sdelay $0x3  }
0x94: {  	_ =	strace s3  }
0x95: {  	s3 =	sld [smem:$0x3FFD];
	_ =	sdelay $0x3  }
0x96: {  	_ =	strace s3  }
0x97: {  	_ =	strace $0x8FFFFFFF  }
0x98: {  	s19 =	sld [smem:$0x3FDB];
	_ =	sdelay $0x1  }
0x99: {  	s4 =	simm.s32 $_scs_section_size  }
0x9a: {  	s5 =	simm.s32 $_size__tile_overlayer_lowered;
	s6 =	simm.s32 $_tile_overlayer_lowered  }
0x9b: {  	s22 =	simm.s32 $0x1BFF;
	s21 =	sshll.u32 s6, $0x1;
	s3 =	sadd.s32 s4, s19  }
0x9c: {  	s7 =	simm.s32 $0x0;
	s20 =	sshll.u32 s5, $0x1;
	s5 =	sadd.s32 s21, s3  }
0x9d: {  	[timem:s7], [sflag:s22] =	dma.local [hbm:s5], s20  }
0x9e: {  	_ =	swait.ge [sflag:s22], s20  }
0x9f: {  	s4 =	ssub.s32 $0x0, s20;
	[sflag:s22] =	ssyncset.done $0x0  }
0xa0: {  	[sflag:s22] =	ssyncadd.s32 s4;
	_ =	sdelay $0x1  }
0xa1: {  	s23 =	simm.s32 $0x1B8B  }
0xa2: {  	_ =	swait.ge [sflag:s23], $0x1  }
0xa3: {  	[sflag:s23] =	ssyncset.done $0x0  }
0xa4: {  	s25 =	simm.s32 $0x1B8E;
	s24 =	sld [smem:$0x3FFE];
	[sflag:s23] =	ssyncadd.s32 $0xFFFFFFFF  }
0xa5: {  	s26 =	simm.s32 $execute0_lowered;
	[smem:$0x3FD2] =	sst s25  }
0xa6: {  	s5 =	sshll.u32 s26, $0x1;
	_ =	strace $0x80000049;
	[dreg:$0x1] =	wrdreg $0xFFFFFFFF  }
0xa7: {  	s28 =	simm.s32 $_size_execute0_lowered;
	s3 =	sadd.s32 s3, s5;
	[dreg:$0x0] =	wrdreg $0x0  }
0xa8: {  	s5 =	sshll.u32 s28, $0x1;
	[dreg:$0x2] =	wrdreg s3  }
0xa9: {  	[dreg:$0x3] =	wrdreg s5  }
0xaa: {  	[dreg:$0x4] =	wrdreg $0xC0  }
0xab: {  	_ =	task [dreg:s7], $0x5FFFF  }
0xac: {  	[dreg:$0x1] =	wrdreg $0xFFFFFFFF  }
0xad: {  	[dreg:$0x0] =	wrdreg $0x60  }
0xae: {  	[dreg:$0x2] =	wrdreg s2  }
0xaf: {  	[dreg:$0x3] =	wrdreg s24  }
0xb0: {  	[dreg:$0x4] =	wrdreg $0x9  }
0xb1: {  	_ =	task.clear_ibuf [dreg:s7], $0x5FFFF;
	_ =	strace $0x90000049  }
0xb2: {  	s29 =	simm.s32 $0x9;
	_ =	strace $0x8000004B  }
0xb3: {  	_ =	swait.ge [sflag:s29], $0x1  }
0xb4: {  	[sflag:s29] =	ssyncadd.s32 $0xFFFFFFFF  }
0xb5: {  	_ =	strace $0x9000004B  }
0xb6: {  	_ =	sfence  }
0xb7: {  	s30 =	sld [smem:$0x0];
	_ =	sdelay $0x2  }
0xb8: {  	s31 =	sshll.u32 s1, $0xD;
	s1 =	sshrl.u32 s1, $0x2  }
0xb9: {  	s3 =	sand.u32 $0x4000, s31;
	s1 =	sadd.s32 s1, s30  }
0xba: {  	s0 =	sor.u32 s3, s0;
	s1 =	sshll.u32 s1, $0x11  }
0xbb: {  	s0 =	sor.u32 s1, s0  }
0xbc: {  	s0 =	sadd.s32 $0x8F2B, s0  }
0xbd: {  	[sflag:s0] =	ssyncadd.remote.s32 $0x1  }
0xbe: {  	_ =	sfence.sel $0xFFFF  }
0xbf: {  	[dreg:$0x0] =	wrdreg $0xFFFFFFFF;
	(pc) =	sbr.abs _section_cstart, $3  }
0xc0: {  	[dreg:$0x1] =	wrdreg $0xFFFFFFFF  }
0xc1: {  	_ =	task.clear_ibuf [dreg:s7], $0x2FFFF;
	_ =	strace $0x9FFFFFFF  }
0xc2: {  	(tm) =	ssettm $0x7FFFFFFF  }
0xc3: {  	_ =	shalt  }
tec
execute0_lowered:
.L_overlay_start_1:
0x0: {  	(tag) =	ssettag $0x1  }
0x1: {  	s1 =	rddreg [dreg:$0x0]  }
0x2: {  	s5 =	rddreg [dreg:$0x1]  }
0x3: {  	s0 =	rddreg [dreg:$0x2]  }
0x4: {  	s2 =	simm.s32 $0x0;
	s3 =	srdreg.scid;
	s9 =	simm.s32 $0x8000  }
0x5: {  	s10 =	simm.s32 $0x0;
	[smem:$0x7FF] =	sst s2;
	s6 =	sand.u32 $0x1, s3  }
0x6: {  	s4 =	sadd.s32 $0xA00, s5;
	s3 =	stileid.u32;
	s7 =	ssub.s32 $0x2, s6  }
0x7: {  	s5 =	sadd.s32 $0x80A00, s5;
	_ =	strace $0x8000004A;
	s8 =	sshrl.u32 s7, $0x1  }
0x8: {  	s31 =	sshll.u32 s3, $0x11;
	s6 =	sshll.u32 s6, $0x10;
	s7 =	ssub.s32 s7, s8  }
0x9: {  	s6 =	sor.u32 s6, s31;
	s8 =	simm.s32 $0x1;
	s7 =	smax.u32 s7, $0x1  }
.LBB2_1:
0xa: {  	s11 =	simm.s32 $0x0  }
.LBB2_2:
0xb: {  	s12 =	sshll.u32 s11, $0xC  }
0xc: {  	s12 =	sadd.s32 s6, s12  }
0xd: {  	s14 =	simm.s32 $0x0;
	s13 =	sadd.s32 s1, s12  }
0xe: {  	[tilespmem:s14], [sflag:$0x1] =	stream.linear.gather [hbm4b:s13+s14], $0x8000, $0x38;
	[tilespmem:$0x10000] =	vst v63  }
0xf: {  	_ =	swait.ge [sflag:s8], $0x8000  }
0x10: {  	s31 =	sand.u32 $0x7F000, s12;
	[sflag:s8] =	ssyncset.done $0x0  }
0x11: {  	s13 =	sadd.s32 s4, s31;
	[sflag:s8] =	ssyncadd.s32 $0xFFFF8000  }
0x12: {  	[tilespmem:s9], [sflag:$0x1] =	stream.linear.gather [hbm4b:s13+s14], $0x8000, $0x38;
	[tilespmem:$0x10000] =	vst v63  }
0x13: {  	_ =	swait.ge [sflag:s8], $0x8000  }
0x14: {  	[sflag:s8] =	ssyncset.done $0x0  }
0x15: {  	s13 =	simm.s32 $0x0;
	[sflag:s8] =	ssyncadd.s32 $0xFFFF8000  }
0x16: {  	v34 =	vld [tilespmem:s13+$0x8000]  }
0x17: {  	v35 =	vld [tilespmem:s13+$0x8010]  }
0x18: {  	v36 =	vld [tilespmem:s13+$0x8020]  }
0x19: {  	v37 =	vld [tilespmem:s13+$0x8030]  }
0x1a: {  	v38 =	vld [tilespmem:s13+$0x8040]  }
0x1b: {  	v39 =	vld [tilespmem:s13+$0x8050]  }
0x1c: {  	v40 =	vld [tilespmem:s13+$0x8060]  }
0x1d: {  	v41 =	vld [tilespmem:s13+$0x8070]  }
0x1e: {  	v42 =	vld [tilespmem:s13+$0x8080]  }
0x1f: {  	v43 =	vld [tilespmem:s13+$0x8090]  }
0x20: {  	v44 =	vld [tilespmem:s13+$0x80A0]  }
0x21: {  	v45 =	vld [tilespmem:s13+$0x80B0]  }
0x22: {  	v46 =	vld [tilespmem:s13+$0x80C0]  }
0x23: {  	v47 =	vld [tilespmem:s13+$0x80D0]  }
0x24: {  	v48 =	vld [tilespmem:s13+$0x80E0]  }
0x25: {  	v49 =	vld [tilespmem:s13+$0x80F0]  }
0x26: {  	v50 =	vld [tilespmem:s13+$0x8100]  }
0x27: {  	v51 =	vld [tilespmem:s13+$0x8110]  }
0x28: {  	v52 =	vld [tilespmem:s13+$0x8120]  }
0x29: {  	v53 =	vld [tilespmem:s13+$0x8130]  }
0x2a: {  	v54 =	vld [tilespmem:s13+$0x8140]  }
0x2b: {  	v55 =	vld [tilespmem:s13+$0x8150]  }
0x2c: {  	v56 =	vld [tilespmem:s13+$0x8160]  }
0x2d: {  	v57 =	vld [tilespmem:s13+$0x8170]  }
0x2e: {  	v58 =	vld [tilespmem:s13+$0x8180]  }
0x2f: {  	v59 =	vld [tilespmem:s13+$0x8190]  }
0x30: {  	v60 =	vld [tilespmem:s13+$0x81A0]  }
0x31: {  	v61 =	vld [tilespmem:s13+$0x81B0]  }
0x32: {  	v62 =	vld [tilespmem:s13+$0x81C0]  }
0x33: {  	v63 =	vld [tilespmem:s13+$0x81D0]  }
0x34: {  	v33 =	vld [tilespmem:s13+$0x81E0]  }
0x35: {  	v32 =	vld [tilespmem:s13+$0x81F0]  }
0x36: {  	v31 =	vld [tilespmem:s13+$0x8200]  }
0x37: {  	v30 =	vld [tilespmem:s13+$0x8210]  }
0x38: {  	v29 =	vld [tilespmem:s13+$0x8220]  }
0x39: {  	v28 =	vld [tilespmem:s13+$0x8230]  }
0x3a: {  	v27 =	vld [tilespmem:s13+$0x8240]  }
0x3b: {  	v26 =	vld [tilespmem:s13+$0x8250]  }
0x3c: {  	v25 =	vld [tilespmem:s13+$0x8260]  }
0x3d: {  	v24 =	vld [tilespmem:s13+$0x8270]  }
0x3e: {  	v23 =	vld [tilespmem:s13+$0x8280]  }
0x3f: {  	v22 =	vld [tilespmem:s13+$0x8290]  }
0x40: {  	v21 =	vld [tilespmem:s13+$0x82A0]  }
0x41: {  	v20 =	vld [tilespmem:s13+$0x82B0]  }
0x42: {  	v19 =	vld [tilespmem:s13+$0x82C0]  }
0x43: {  	v18 =	vld [tilespmem:s13+$0x82D0]  }
0x44: {  	v7 =	vld [tilespmem:s13+$0x10]  }
0x45: {  	v16 =	vld [tilespmem:s13+$0x82E0]  }
0x46: {  	v15 =	vld [tilespmem:s13+$0x82F0]  }
0x47: {  	v14 =	vld [tilespmem:s13+$0x8300]  }
0x48: {  	v9 =	vld [tilespmem:s13+$0x30]  }
0x49: {  	v13 =	vld [tilespmem:s13+$0x8310];
	v7 =	vadd.f32 v35, v7  }
0x4a: {  	v0 =	vld [tilespmem:s13+$0x8320]  }
0x4b: {  	[tilespmem:s13+$0x10] =	vst v7;
	v7 =	vld [tilespmem:s13+$0x80]  }
0x4c: {  	v8 =	vld [tilespmem:s13+$0x20]  }
0x4d: {  	v10 =	vld [tilespmem:s13+$0x40];
	v9 =	vadd.f32 v37, v9  }
0x4e: {  	v12 =	vld [tilespmem:s13+$0x8330]  }
0x4f: {  	[tilespmem:s13+$0x30] =	vst v9;
	v9 =	vld [tilespmem:s13+$0xA0]  }
0x50: {  	v6 =	vld [tilespmem:s13+$0x0];
	v7 =	vadd.f32 v42, v7  }
0x51: {  	v11 =	vld [tilespmem:s13+$0x60];
	v8 =	vadd.f32 v36, v8  }
0x52: {  	v10 =	vadd.f32 v38, v10;
	[tilespmem:s13+$0x80] =	vst v7;
	v7 =	vld [tilespmem:s13+$0xF0]  }
0x53: {  	[tilespmem:s13+$0x20] =	vst v8;
	v8 =	vld [tilespmem:s13+$0x90]  }
0x54: {  	[tilespmem:s13+$0x40] =	vst v10;
	v10 =	vld [tilespmem:s13+$0xB0];
	v9 =	vadd.f32 v44, v9  }
0x55: {  	v1 =	vld [tilespmem:s13+$0x8340];
	v6 =	vadd.f32 v34, v6  }
0x56: {  	v11 =	vadd.f32 v40, v11;
	[tilespmem:s13+$0xA0] =	vst v9;
	v9 =	vld [tilespmem:s13+$0x110]  }
0x57: {  	[tilespmem:s13+$0x0] =	vst v6;
	v6 =	vld [tilespmem:s13+$0x70];
	v7 =	vadd.f32 v49, v7  }
0x58: {  	[tilespmem:s13+$0x60] =	vst v11;
	v11 =	vld [tilespmem:s13+$0xD0];
	v8 =	vadd.f32 v43, v8  }
0x59: {  	v10 =	vadd.f32 v45, v10;
	[tilespmem:s13+$0xF0] =	vst v7;
	v7 =	vld [tilespmem:s13+$0x160]  }
0x5a: {  	[tilespmem:s13+$0x90] =	vst v8;
	v8 =	vld [tilespmem:s13+$0x100]  }
0x5b: {  	[tilespmem:s13+$0xB0] =	vst v10;
	v10 =	vld [tilespmem:s13+$0x120];
	v9 =	vadd.f32 v51, v9  }
0x5c: {  	v5 =	vld [tilespmem:s13+$0x83A0];
	v6 =	vadd.f32 v41, v6  }
0x5d: {  	v11 =	vadd.f32 v47, v11;
	[tilespmem:s13+$0x110] =	vst v9;
	v9 =	vld [tilespmem:s13+$0x180]  }
0x5e: {  	[tilespmem:s13+$0x70] =	vst v6;
	v6 =	vld [tilespmem:s13+$0xE0];
	v7 =	vadd.f32 v56, v7  }
0x5f: {  	[tilespmem:s13+$0xD0] =	vst v11;
	v11 =	vld [tilespmem:s13+$0x140];
	v8 =	vadd.f32 v50, v8  }
0x60: {  	v10 =	vadd.f32 v52, v10;
	[tilespmem:s13+$0x160] =	vst v7;
	v7 =	vld [tilespmem:s13+$0x1D0]  }
0x61: {  	[tilespmem:s13+$0x100] =	vst v8;
	v8 =	vld [tilespmem:s13+$0x170]  }
0x62: {  	[tilespmem:s13+$0x120] =	vst v10;
	v10 =	vld [tilespmem:s13+$0x190];
	v9 =	vadd.f32 v58, v9  }
0x63: {  	v4 =	vld [tilespmem:s13+$0x83B0];
	v6 =	vadd.f32 v48, v6  }
0x64: {  	v11 =	vadd.f32 v54, v11;
	[tilespmem:s13+$0x180] =	vst v9;
	v9 =	vld [tilespmem:s13+$0x1F0]  }
0x65: {  	[tilespmem:s13+$0xE0] =	vst v6;
	v6 =	vld [tilespmem:s13+$0x150];
	v7 =	vadd.f32 v63, v7  }
0x66: {  	[tilespmem:s13+$0x140] =	vst v11;
	v11 =	vld [tilespmem:s13+$0x1B0];
	v8 =	vadd.f32 v57, v8  }
0x67: {  	v10 =	vadd.f32 v59, v10;
	[tilespmem:s13+$0x1D0] =	vst v7;
	v7 =	vld [tilespmem:s13+$0x240]  }
0x68: {  	[tilespmem:s13+$0x170] =	vst v8;
	v8 =	vld [tilespmem:s13+$0x1E0]  }
0x69: {  	[tilespmem:s13+$0x190] =	vst v10;
	v10 =	vld [tilespmem:s13+$0x200];
	v9 =	vadd.f32 v32, v9  }
0x6a: {  	v3 =	vld [tilespmem:s13+$0x83C0];
	v6 =	vadd.f32 v55, v6  }
0x6b: {  	v11 =	vadd.f32 v61, v11;
	[tilespmem:s13+$0x1F0] =	vst v9;
	v9 =	vld [tilespmem:s13+$0x260]  }
0x6c: {  	[tilespmem:s13+$0x150] =	vst v6;
	v6 =	vld [tilespmem:s13+$0x1C0];
	v7 =	vadd.f32 v27, v7  }
0x6d: {  	[tilespmem:s13+$0x1B0] =	vst v11;
	v11 =	vld [tilespmem:s13+$0x220];
	v8 =	vadd.f32 v33, v8  }
0x6e: {  	v10 =	vadd.f32 v31, v10;
	[tilespmem:s13+$0x240] =	vst v7;
	v7 =	vld [tilespmem:s13+$0x2B0]  }
0x6f: {  	[tilespmem:s13+$0x1E0] =	vst v8;
	v8 =	vld [tilespmem:s13+$0x250]  }
0x70: {  	[tilespmem:s13+$0x200] =	vst v10;
	v10 =	vld [tilespmem:s13+$0x270];
	v9 =	vadd.f32 v25, v9  }
0x71: {  	[tilespmem:$0x1FFA0] =	vst v1;
	v1 =	vld [tilespmem:s13+$0x8350];
	v6 =	vadd.f32 v62, v6  }
0x72: {  	v11 =	vadd.f32 v29, v11;
	[tilespmem:s13+$0x260] =	vst v9;
	v9 =	vld [tilespmem:s13+$0x2D0]  }
0x73: {  	[tilespmem:s13+$0x1C0] =	vst v6;
	v6 =	vld [tilespmem:s13+$0x230];
	v7 =	vadd.f32 v20, v7  }
0x74: {  	[tilespmem:s13+$0x220] =	vst v11;
	v11 =	vld [tilespmem:s13+$0x290];
	v8 =	vadd.f32 v26, v8  }
0x75: {  	v10 =	vadd.f32 v24, v10;
	[tilespmem:s13+$0x2B0] =	vst v7;
	v7 =	vld [tilespmem:s13+$0x320]  }
0x76: {  	[tilespmem:s13+$0x250] =	vst v8;
	v8 =	vld [tilespmem:s13+$0x2C0]  }
0x77: {  	[tilespmem:s13+$0x270] =	vst v10;
	v10 =	vld [tilespmem:s13+$0x2E0];
	v9 =	vadd.f32 v18, v9  }
0x78: {  	[tilespmem:$0x1FFB0] =	vst v1;
	v1 =	vld [tilespmem:s13+$0x8360]  }
0x79: {  	v6 =	vadd.f32 v28, v6;
	[tilespmem:s13+$0x2D0] =	vst v9;
	v9 =	vld [tilespmem:s13+$0x340]  }
0x7a: {  	v11 =	vadd.f32 v22, v11;
	v7 =	vadd.f32 v0, v7;
	v0 =	vld [tilespmem:$0x1FFA0]  }
0x7b: {  	[tilespmem:s13+$0x230] =	vst v6;
	v6 =	vld [tilespmem:s13+$0x2A0];
	v8 =	vadd.f32 v19, v8  }
0x7c: {  	[tilespmem:s13+$0x290] =	vst v11;
	v11 =	vld [tilespmem:s13+$0x300];
	v10 =	vadd.f32 v16, v10  }
0x7d: {  	[tilespmem:s13+$0x2C0] =	vst v8;
	v8 =	vld [tilespmem:s13+$0x330]  }
0x7e: {  	[tilespmem:s13+$0x2E0] =	vst v10;
	v10 =	vld [tilespmem:s13+$0x350]  }
0x7f: {  	v9 =	vadd.f32 v0, v9;
	v0 =	vld [tilespmem:$0x1FFB0]  }
0x80: {  	v34 =	vld [tilespmem:s13+$0x50]  }
0x81: {  	[tilespmem:$0x1FFC0] =	vst v1;
	v1 =	vld [tilespmem:s13+$0x8370];
	v6 =	vadd.f32 v21, v6  }
0x82: {  	v11 =	vadd.f32 v14, v11;
	v14 =	vld [tilespmem:s13+$0x360];
	v8 =	vadd.f32 v12, v8  }
0x83: {  	[tilespmem:s13+$0x2A0] =	vst v6;
	v6 =	vld [tilespmem:s13+$0x310]  }
0x84: {  	[tilespmem:s13+$0x330] =	vst v8;
	v8 =	vadd.f32 v0, v10;
	v0 =	vld [tilespmem:$0x1FFC0]  }
0x85: {  	v40 =	vld [tilespmem:s13+$0xC0]  }
0x86: {  	v47 =	vld [tilespmem:s13+$0x130]  }
0x87: {  	[tilespmem:$0x1FFD0] =	vst v1;
	v1 =	vld [tilespmem:s13+$0x8380]  }
0x88: {  	v34 =	vadd.f32 v39, v34;
	v6 =	vadd.f32 v13, v6;
	v13 =	vld [tilespmem:s13+$0x370]  }
0x89: {  	v12 =	vadd.f32 v0, v14;
	v0 =	vld [tilespmem:$0x1FFD0]  }
0x8a: {  	[tilespmem:s13+$0x50] =	vst v34;
	v34 =	vadd.f32 v46, v40;
	v54 =	vld [tilespmem:s13+$0x1A0]  }
0x8b: {  	v2 =	vld [tilespmem:s13+$0x83D0]  }
0x8c: {  	[tilespmem:s13+$0xC0] =	vst v34;
	v34 =	vadd.f32 v53, v47;
	v61 =	vld [tilespmem:s13+$0x210]  }
0x8d: {  	[tilespmem:$0x1FFE0] =	vst v1;
	v1 =	vld [tilespmem:s13+$0x8390]  }
0x8e: {  	v17 =	vld [tilespmem:s13+$0x83F0];
	[tilespmem:s13+$0x130] =	vst v34;
	v0 =	vadd.f32 v0, v13  }
0x8f: {  	v34 =	vadd.f32 v60, v54;
	[tilespmem:s13+$0x310] =	vst v6;
	v6 =	vld [tilespmem:s13+$0x380]  }
0x90: {  	[tilespmem:s13+$0x370] =	vst v0;
	v0 =	vld [tilespmem:$0x1FFE0]  }
0x91: {  	[tilespmem:s13+$0x1A0] =	vst v34;
	v30 =	vadd.f32 v30, v61;
	v62 =	vld [tilespmem:s13+$0x280]  }
0x92: {  	[tilespmem:$0x1FFF0] =	vst v1;
	v1 =	vld [tilespmem:s13+$0x83E0]  }
0x93: {  	[tilespmem:s13+$0x210] =	vst v30;
	v63 =	vld [tilespmem:s13+$0x2F0]  }
0x94: {  	[tilespmem:s13+$0x320] =	vst v7;
	v7 =	vld [tilespmem:s13+$0x390]  }
0x95: {  	[tilespmem:s13+$0x360] =	vst v12;
	v12 =	vadd.f32 v0, v6;
	v0 =	vld [tilespmem:$0x1FFF0]  }
0x96: {  	v23 =	vadd.f32 v23, v62;
	[tilespmem:s13+$0x300] =	vst v11;
	v11 =	vld [tilespmem:s13+$0x3A0]  }
0x97: {  	[tilespmem:s13+$0x340] =	vst v9;
	v9 =	vld [tilespmem:s13+$0x3C0]  }
0x98: {  	v15 =	vadd.f32 v15, v63;
	[tilespmem:s13+$0x280] =	vst v23;
	v10 =	vld [tilespmem:s13+$0x3B0]  }
0x99: {  	[tilespmem:s13+$0x350] =	vst v8;
	v8 =	vld [tilespmem:s13+$0x3D0]  }
0x9a: {  	s14 =	simm.s32 $0x1000;
	[tilespmem:s13+$0x2F0] =	vst v15;
	v6 =	vld [tilespmem:s13+$0x3E0];
	v7 =	vadd.f32 v0, v7  }
.LBB2_3:
0x9b: {  	_ = 	snop  }
0x9c: {  	s15 =	sshra.s32 s14, $0x2;
	[tilespmem:s13+$0x380] =	vst v12;
	v5 =	vadd.f32 v5, v11;
	v11 =	vld [tilespmem:s13+$0x3F0]  }
0x9d: {  	v56 =	vld [tilespmem:s15+$0x8000];
	[tilespmem:s13+$0x390] =	vst v7;
	v4 =	vadd.f32 v4, v10  }
0x9e: {  	v59 =	vld [tilespmem:s15+$0x8010];
	v3 =	vadd.f32 v3, v9;
	[tilespmem:s13+$0x3A0] =	vst v5  }
0x9f: {  	v2 =	vadd.f32 v2, v8;
	v60 =	vld [tilespmem:s15+$0x8020];
	[tilespmem:s13+$0x3B0] =	vst v4  }
0xa0: {  	v1 =	vadd.f32 v1, v6;
	v61 =	vld [tilespmem:s15+$0x8030];
	[tilespmem:s13+$0x3C0] =	vst v3  }
0xa1: {  	v62 =	vld [tilespmem:s15+$0x8040];
	[tilespmem:s13+$0x3D0] =	vst v2;
	v0 =	vadd.f32 v17, v11  }
0xa2: {  	v63 =	vld [tilespmem:s15+$0x8050];
	[tilespmem:s13+$0x3E0] =	vst v1  }
0xa3: {  	v57 =	vld [tilespmem:s15+$0x8060];
	[tilespmem:s13+$0x3F0] =	vst v0;
	s13 =	smov.u32 s15  }
0xa4: {  	v58 =	vld [tilespmem:s13+$0x8070]  }
0xa5: {  	v55 =	vld [tilespmem:s13+$0x8080]  }
0xa6: {  	v54 =	vld [tilespmem:s13+$0x8090]  }
0xa7: {  	v53 =	vld [tilespmem:s13+$0x80A0]  }
0xa8: {  	v52 =	vld [tilespmem:s13+$0x80B0]  }
0xa9: {  	v51 =	vld [tilespmem:s13+$0x80C0]  }
0xaa: {  	v50 =	vld [tilespmem:s13+$0x80D0]  }
0xab: {  	v49 =	vld [tilespmem:s13+$0x80E0]  }
0xac: {  	v48 =	vld [tilespmem:s13+$0x80F0]  }
0xad: {  	v47 =	vld [tilespmem:s13+$0x8100]  }
0xae: {  	v46 =	vld [tilespmem:s13+$0x8110]  }
0xaf: {  	v45 =	vld [tilespmem:s13+$0x8120]  }
0xb0: {  	v44 =	vld [tilespmem:s13+$0x8130]  }
0xb1: {  	v43 =	vld [tilespmem:s13+$0x8140]  }
0xb2: {  	v42 =	vld [tilespmem:s13+$0x8150]  }
0xb3: {  	v41 =	vld [tilespmem:s13+$0x8160]  }
0xb4: {  	v40 =	vld [tilespmem:s13+$0x8170]  }
0xb5: {  	v39 =	vld [tilespmem:s13+$0x8180]  }
0xb6: {  	v38 =	vld [tilespmem:s13+$0x8190]  }
0xb7: {  	v37 =	vld [tilespmem:s13+$0x81A0]  }
0xb8: {  	v36 =	vld [tilespmem:s13+$0x81B0]  }
0xb9: {  	v35 =	vld [tilespmem:s13+$0x81C0]  }
0xba: {  	v34 =	vld [tilespmem:s13+$0x81D0]  }
0xbb: {  	v0 =	vld [tilespmem:s13+$0x8350]  }
0xbc: {  	v33 =	vld [tilespmem:s13+$0x81E0]  }
0xbd: {  	v32 =	vld [tilespmem:s13+$0x81F0]  }
0xbe: {  	v31 =	vld [tilespmem:s13+$0x8200]  }
0xbf: {  	v30 =	vld [tilespmem:s13+$0x8210]  }
0xc0: {  	[tilespmem:$0x1FF50] =	vst v0;
	v0 =	vld [tilespmem:s13+$0x8360]  }
0xc1: {  	v29 =	vld [tilespmem:s13+$0x8220]  }
0xc2: {  	v28 =	vld [tilespmem:s13+$0x8230]  }
0xc3: {  	v27 =	vld [tilespmem:s13+$0x8240]  }
0xc4: {  	v26 =	vld [tilespmem:s13+$0x8250]  }
0xc5: {  	[tilespmem:$0x1FF60] =	vst v0;
	v0 =	vld [tilespmem:s13+$0x8370]  }
0xc6: {  	v25 =	vld [tilespmem:s13+$0x8260]  }
0xc7: {  	v24 =	vld [tilespmem:s13+$0x8270]  }
0xc8: {  	v23 =	vld [tilespmem:s13+$0x8280]  }
0xc9: {  	v22 =	vld [tilespmem:s13+$0x8290]  }
0xca: {  	[tilespmem:$0x1FF70] =	vst v0;
	v0 =	vld [tilespmem:s13+$0x8380]  }
0xcb: {  	v21 =	vld [tilespmem:s13+$0x82A0]  }
0xcc: {  	v20 =	vld [tilespmem:s13+$0x82B0]  }
0xcd: {  	v19 =	vld [tilespmem:s13+$0x82C0]  }
0xce: {  	v18 =	vld [tilespmem:s13+$0x82D0]  }
0xcf: {  	[tilespmem:$0x1FF80] =	vst v0;
	v0 =	vld [tilespmem:s13+$0x8390]  }
0xd0: {  	v6 =	vld [tilespmem:s13+$0x82E0]  }
0xd1: {  	v7 =	vld [tilespmem:s13+$0x82F0]  }
0xd2: {  	v8 =	vld [tilespmem:s13+$0x8300]  }
0xd3: {  	v9 =	vld [tilespmem:s13+$0x8310]  }
0xd4: {  	[tilespmem:$0x1FF90] =	vst v0;
	v0 =	vld [tilespmem:s13+$0x0]  }
0xd5: {  	v13 =	vld [tilespmem:s13+$0x10]  }
0xd6: {  	v14 =	vld [tilespmem:s13+$0x20]  }
0xd7: {  	v15 =	vld [tilespmem:s13+$0x30]  }
0xd8: {  	v16 =	vld [tilespmem:s13+$0x40]  }
0xd9: {  	v0 =	vadd.f32 v56, v0;
	v56 =	vld [tilespmem:s13+$0x50]  }
0xda: {  	v13 =	vadd.f32 v59, v13;
	v59 =	vld [tilespmem:s13+$0x60]  }
0xdb: {  	[tilespmem:s13+$0x0] =	vst v0;
	v0 =	vadd.f32 v60, v14;
	v14 =	vld [tilespmem:s13+$0x70]  }
0xdc: {  	[tilespmem:s13+$0x10] =	vst v13;
	v13 =	vadd.f32 v61, v15;
	v15 =	vld [tilespmem:s13+$0x80]  }
0xdd: {  	[tilespmem:s13+$0x20] =	vst v0;
	v0 =	vadd.f32 v62, v16;
	v16 =	vld [tilespmem:s13+$0x90]  }
0xde: {  	[tilespmem:s13+$0x30] =	vst v13;
	v13 =	vadd.f32 v63, v56;
	v63 =	vld [tilespmem:s13+$0xA0]  }
0xdf: {  	v60 =	vld [tilespmem:s13+$0xB0];
	[tilespmem:s13+$0x40] =	vst v0;
	v0 =	vadd.f32 v57, v59  }
0xe0: {  	[tilespmem:s13+$0x50] =	vst v13;
	v13 =	vadd.f32 v58, v14;
	v14 =	vld [tilespmem:s13+$0xC0]  }
0xe1: {  	[tilespmem:s13+$0x60] =	vst v0;
	v0 =	vadd.f32 v55, v15;
	v15 =	vld [tilespmem:s13+$0xD0]  }
0xe2: {  	[tilespmem:s13+$0x70] =	vst v13;
	v13 =	vadd.f32 v54, v16;
	v16 =	vld [tilespmem:s13+$0xE0]  }
0xe3: {  	v61 =	vld [tilespmem:s13+$0xF0];
	[tilespmem:s13+$0x80] =	vst v0;
	v0 =	vadd.f32 v53, v63  }
0xe4: {  	v62 =	vld [tilespmem:s13+$0x100];
	[tilespmem:s13+$0x90] =	vst v13;
	v13 =	vadd.f32 v52, v60  }
0xe5: {  	[tilespmem:s13+$0xA0] =	vst v0;
	v0 =	vadd.f32 v51, v14;
	v14 =	vld [tilespmem:s13+$0x110]  }
0xe6: {  	[tilespmem:s13+$0xB0] =	vst v13;
	v13 =	vadd.f32 v50, v15;
	v15 =	vld [tilespmem:s13+$0x120]  }
0xe7: {  	[tilespmem:s13+$0xC0] =	vst v0;
	v0 =	vadd.f32 v49, v16;
	v16 =	vld [tilespmem:s13+$0x130]  }
0xe8: {  	v63 =	vld [tilespmem:s13+$0x140];
	[tilespmem:s13+$0xD0] =	vst v13;
	v13 =	vadd.f32 v48, v61  }
0xe9: {  	v53 =	vld [tilespmem:s13+$0x150];
	[tilespmem:s13+$0xE0] =	vst v0;
	v0 =	vadd.f32 v47, v62  }
0xea: {  	[tilespmem:s13+$0xF0] =	vst v13;
	v13 =	vadd.f32 v46, v14;
	v14 =	vld [tilespmem:s13+$0x160]  }
0xeb: {  	[tilespmem:s13+$0x100] =	vst v0;
	v0 =	vadd.f32 v45, v15;
	v15 =	vld [tilespmem:s13+$0x170]  }
0xec: {  	[tilespmem:s13+$0x110] =	vst v13;
	v13 =	vadd.f32 v44, v16;
	v16 =	vld [tilespmem:s13+$0x180]  }
0xed: {  	v54 =	vld [tilespmem:s13+$0x190];
	[tilespmem:s13+$0x120] =	vst v0;
	v0 =	vadd.f32 v43, v63  }
0xee: {  	v55 =	vld [tilespmem:s13+$0x1A0];
	[tilespmem:s13+$0x130] =	vst v13;
	v13 =	vadd.f32 v42, v53  }
0xef: {  	[tilespmem:s13+$0x140] =	vst v0;
	v0 =	vadd.f32 v41, v14;
	v14 =	vld [tilespmem:s13+$0x1B0]  }
0xf0: {  	[tilespmem:s13+$0x150] =	vst v13;
	v13 =	vadd.f32 v40, v15;
	v15 =	vld [tilespmem:s13+$0x1C0]  }
0xf1: {  	[tilespmem:s13+$0x160] =	vst v0;
	v0 =	vadd.f32 v39, v16;
	v16 =	vld [tilespmem:s13+$0x1D0]  }
0xf2: {  	v56 =	vld [tilespmem:s13+$0x1E0];
	[tilespmem:s13+$0x170] =	vst v13;
	v13 =	vadd.f32 v38, v54  }
0xf3: {  	v57 =	vld [tilespmem:s13+$0x1F0];
	[tilespmem:s13+$0x180] =	vst v0;
	v0 =	vadd.f32 v37, v55  }
0xf4: {  	[tilespmem:s13+$0x190] =	vst v13;
	v13 =	vadd.f32 v36, v14;
	v14 =	vld [tilespmem:s13+$0x200]  }
0xf5: {  	[tilespmem:s13+$0x1A0] =	vst v0;
	v0 =	vadd.f32 v35, v15;
	v15 =	vld [tilespmem:s13+$0x210]  }
0xf6: {  	[tilespmem:s13+$0x1B0] =	vst v13;
	v13 =	vadd.f32 v34, v16;
	v16 =	vld [tilespmem:s13+$0x220]  }
0xf7: {  	v58 =	vld [tilespmem:s13+$0x230];
	[tilespmem:s13+$0x1C0] =	vst v0;
	v0 =	vadd.f32 v33, v56  }
0xf8: {  	v59 =	vld [tilespmem:s13+$0x240];
	[tilespmem:s13+$0x1D0] =	vst v13;
	v13 =	vadd.f32 v32, v57  }
0xf9: {  	[tilespmem:s13+$0x1E0] =	vst v0;
	v0 =	vadd.f32 v31, v14;
	v14 =	vld [tilespmem:s13+$0x250]  }
0xfa: {  	[tilespmem:s13+$0x1F0] =	vst v13;
	v13 =	vadd.f32 v30, v15;
	v15 =	vld [tilespmem:s13+$0x260]  }
0xfb: {  	[tilespmem:s13+$0x200] =	vst v0;
	v0 =	vadd.f32 v29, v16;
	v16 =	vld [tilespmem:s13+$0x270]  }
0xfc: {  	v60 =	vld [tilespmem:s13+$0x280];
	[tilespmem:s13+$0x210] =	vst v13;
	v13 =	vadd.f32 v28, v58  }
0xfd: {  	v61 =	vld [tilespmem:s13+$0x290];
	[tilespmem:s13+$0x220] =	vst v0;
	v0 =	vadd.f32 v27, v59  }
0xfe: {  	[tilespmem:s13+$0x230] =	vst v13;
	v13 =	vadd.f32 v26, v14;
	v14 =	vld [tilespmem:s13+$0x2A0]  }
0xff: {  	[tilespmem:s13+$0x240] =	vst v0;
	v0 =	vadd.f32 v25, v15;
	v15 =	vld [tilespmem:s13+$0x2B0]  }
0x100: {  	[tilespmem:s13+$0x250] =	vst v13;
	v13 =	vadd.f32 v24, v16;
	v16 =	vld [tilespmem:s13+$0x2C0]  }
0x101: {  	v62 =	vld [tilespmem:s13+$0x2D0];
	[tilespmem:s13+$0x260] =	vst v0;
	v0 =	vadd.f32 v23, v60  }
0x102: {  	v63 =	vld [tilespmem:s13+$0x2E0];
	[tilespmem:s13+$0x270] =	vst v13;
	v13 =	vadd.f32 v22, v61  }
0x103: {  	v10 =	vld [tilespmem:s13+$0x8320];
	[tilespmem:s13+$0x280] =	vst v0;
	v0 =	vadd.f32 v21, v14  }
0x104: {  	[tilespmem:s13+$0x290] =	vst v13;
	v13 =	vadd.f32 v20, v15;
	v15 =	vld [tilespmem:s13+$0x300]  }
0x105: {  	v11 =	vld [tilespmem:s13+$0x8340];
	[tilespmem:s13+$0x2A0] =	vst v0;
	v0 =	vadd.f32 v19, v16  }
0x106: {  	[tilespmem:s13+$0x2B0] =	vst v13;
	v13 =	vadd.f32 v18, v62;
	v18 =	vld [tilespmem:s13+$0x320]  }
0x107: {  	v14 =	vld [tilespmem:s13+$0x2F0];
	[tilespmem:s13+$0x2C0] =	vst v0;
	v0 =	vadd.f32 v6, v63  }
0x108: {  	[tilespmem:s13+$0x2D0] =	vst v13;
	v13 =	vld [tilespmem:s13+$0x340]  }
0x109: {  	v16 =	vld [tilespmem:s13+$0x310];
	[tilespmem:s13+$0x2E0] =	vst v0;
	v0 =	vadd.f32 v8, v15  }
0x10a: {  	v12 =	vld [tilespmem:s13+$0x8330]  }
0x10b: {  	v6 =	vld [tilespmem:s13+$0x330];
	[tilespmem:s13+$0x300] =	vst v0;
	v0 =	vadd.f32 v10, v18  }
0x10c: {  	v5 =	vld [tilespmem:s13+$0x83A0];
	v7 =	vadd.f32 v7, v14  }
0x10d: {  	v4 =	vld [tilespmem:s13+$0x83B0];
	[tilespmem:s13+$0x320] =	vst v0;
	v0 =	vadd.f32 v11, v13  }
0x10e: {  	[tilespmem:s13+$0x2F0] =	vst v7;
	v7 =	vadd.f32 v9, v16;
	v9 =	vld [tilespmem:s13+$0x360]  }
0x10f: {  	[tilespmem:s13+$0x340] =	vst v0;
	v0 =	vld [tilespmem:$0x1FF60]  }
0x110: {  	v3 =	vld [tilespmem:s13+$0x83C0];
	v6 =	vadd.f32 v12, v6  }
0x111: {  	v8 =	vld [tilespmem:s13+$0x350]  }
0x112: {  	[tilespmem:s13+$0x330] =	vst v6;
	v6 =	vld [tilespmem:$0x1FF50]  }
0x113: {  	v2 =	vld [tilespmem:s13+$0x83D0]  }
0x114: {  	v1 =	vld [tilespmem:s13+$0x83E0];
	v0 =	vadd.f32 v0, v9  }
0x115: {  	[tilespmem:s13+$0x310] =	vst v7;
	v7 =	vld [tilespmem:s13+$0x380]  }
0x116: {  	[tilespmem:s13+$0x360] =	vst v0;
	v0 =	vld [tilespmem:$0x1FF80]  }
0x117: {  	v17 =	vld [tilespmem:s13+$0x83F0];
	v6 =	vadd.f32 v6, v8  }
0x118: {  	v14 =	vld [tilespmem:s13+$0x370]  }
0x119: {  	[tilespmem:s13+$0x350] =	vst v6;
	v6 =	vld [tilespmem:$0x1FF70]  }
0x11a: {  	v13 =	vld [tilespmem:s13+$0x390]  }
0x11b: {  	p0 =	sne.s32 s14, $0x1F000;
	v12 =	vadd.f32 v0, v7;
	v0 =	vld [tilespmem:$0x1FF90]  }
.Ltmp0:
0x11c: {  	v10 =	vld [tilespmem:s13+$0x3B0];
	(pc) =	sbr.rel @p0 .LBB2_3-.Ltmp0, $4  }
0x11d: {  	v11 =	vld [tilespmem:s13+$0x3A0]  }
0x11e: {  	v8 =	vld [tilespmem:s13+$0x3D0];
	v6 =	vadd.f32 v6, v14  }
0x11f: {  	v9 =	vld [tilespmem:s13+$0x3C0]  }
0x120: {  	s14 =	sadd.s32 $0x1000, s14;
	[tilespmem:s13+$0x370] =	vst v6;
	v6 =	vld [tilespmem:s13+$0x3E0];
	v7 =	vadd.f32 v0, v13  }
0x121: {  	[tilespmem:s13+$0x380] =	vst v12;
	v60 =	vld [tilespmem:s13+$0x3F0];
	v4 =	vadd.f32 v4, v10  }
0x122: {  	v0 =	vadd.f32 v5, v11;
	[tilespmem:s13+$0x390] =	vst v7  }
0x123: {  	[tilespmem:s13+$0x3B0] =	vst v4;
	v2 =	vadd.f32 v2, v8  }
0x124: {  	[tilespmem:s13+$0x3A0] =	vst v0;
	v61 =	vadd.f32 v3, v9  }
0x125: {  	v62 =	vadd.f32 v1, v6;
	[tilespmem:s13+$0x3D0] =	vst v2  }
0x126: {  	s11 =	sadd.s32 $0x1, s11;
	[tilespmem:s13+$0x3C0] =	vst v61;
	v63 =	vadd.f32 v17, v60  }
0x127: {  	p0 =	sne.s32 s11, $0x10;
	[tilespmem:s13+$0x3E0] =	vst v62  }
.Ltmp1:
0x128: {  	s12 =	sadd.s32 s5, s12;
	[tilespmem:s13+$0x3F0] =	vst v63;
	(pc) =	sbr.rel @p0 .LBB2_2-.Ltmp1, $4  }
0x129: {  	[hbm4b:s12+s2] =	stream.linear.scatter [tilespmem:s2], [sflag:$0x1], $0x8000, $0x38;
	[tilespmem:$0x10000] =	vst v63  }
0x12a: {  	_ =	swait.ge [sflag:s8], $0x8000  }
0x12b: {  	[sflag:s8] =	ssyncset.done $0x0  }
0x12c: {  	[sflag:s8] =	ssyncadd.s32 $0xFFFF8000  }
0x12d: {  	s10 =	sadd.s32 $0x1, s10  }
0x12e: {  	p0 =	sne.s32 s10, s7  }
.Ltmp2:
0x12f: {  	_ = 	snop;
	(pc) =	sbr.rel @p0 .LBB2_1-.Ltmp2, $1  }
0x130: {  	_ =	sdelay $0x3  }
0x131: {  	_ =	sfence.sel $0x180000  }
0x132: {  	[bflag:$0x0] =	sbarrier.arrive $0xFFFF  }
0x133: {  	p0 =	sne.s32 s3, $0x0;
	_ =	strace $0x9000004A  }
0x134: {  	s0 =	sadd.s32 @!p0 $0x100000, s0;
	[bflag:$0x2] =	sbarrier.arrive $0xFFFF  }
0x135: {  	[sflag:s0] =	ssyncadd.tile.s32 @!p0 $0x1;
	_ =	shalt  }
.Lfunc_end2:
_tile_overlayer_lowered:
.L_overlay_start_2:
0x136: {  	(tag) =	ssettag $0x2  }
0x137: {  	s0 =	rddreg [dreg:$0x0];
	s2 =	stileid.u32  }
0x138: {  	s1 =	rddreg [dreg:$0x1];
	p0 =	sne.s32 s2, $0x0  }
0x139: {  	s3 =	rddreg [dreg:$0x2];
	[bflag:$0x3] =	sbarrier.arrive $0xFFFF;
	s2 =	simm.s32 @!p0 $0x1C01  }
0x13a: {  	[timem:s3], [sflag:s2] =	dma.local @!p0 [hbm:s0], s1  }
0x13b: {  	s0 =	simm.s32 @!p0 $0x1  }
0x13c: {  	_ =	swait.ge @!p0 [sflag:s0], s1  }
0x13d: {  	s1 =	ssub.s32 @!p0 $0x0, s1;
	[sflag:s0] =	ssyncset.done @!p0 $0x0  }
0x13e: {  	[sflag:s0] =	ssyncadd.s32 @!p0 s1  }
0x13f: {  	[bflag:$0x3] =	sbarrier.arrive $0xFFFF  }
0x140: {  	_ =	shalt  }

// kernel: sparse-core-data-format-call.cloned.1.call-start
scs
called_computation_lowered:
.L_overlay_start_0:
0x0: {  	s2 =	sld [smem:$0x3FD9]  }
0x1: {  	s3 =	sld [smem:$0x3FFE];
	_ =	sdelay $0x1  }
0x2: {  	s1 =	srdreg.scid  }
0x3: {  	s0 =	sand.u32 $0x1, s1  }
0x4: {  	s19 =	sshll.u32 s0, $0xA;
	s2 =	sadd.s32 s3, s2  }
0x5: {  	s2 =	sadd.s32 s2, s19  }
0x6: {  	[smem:$0x3FC6] =	sst s2  }
0x7: {  	_ = 	snop  }
0x8: {  	s2 =	sld [smem:$0x3FC9]  }
0x9: {  	s20 =	sld [smem:$0x3FD0];
	(tm) =	ssettm $0x1  }
0xa: {  	s4 =	sld [smem:$0x3FFB];
	_ =	sdelay $0x3  }
0xb: {  	_ =	strace s4  }
0xc: {  	s4 =	sld [smem:$0x3FFC];
	_ =	sdelay $0x3  }
0xd: {  	_ =	strace s4  }
0xe: {  	s4 =	sld [smem:$0x3FFD];
	_ =	sdelay $0x3  }
0xf: {  	_ =	strace s4  }
0x10: {  	_ =	strace $0x8FFFFFFF  }
0x11: {  	s21 =	sld [smem:$0x3FDB];
	_ =	sdelay $0x1  }
0x12: {  	s5 =	simm.s32 $_scs_section_size  }
0x13: {  	s6 =	simm.s32 $_size__tile_overlayer_lowered;
	s7 =	simm.s32 $_tile_overlayer_lowered  }
0x14: {  	s24 =	simm.s32 $0x1BFF;
	s23 =	sshll.u32 s7, $0x1;
	s4 =	sadd.s32 s5, s21  }
0x15: {  	s8 =	simm.s32 $0x0;
	s22 =	sshll.u32 s6, $0x1;
	s6 =	sadd.s32 s23, s4  }
0x16: {  	[timem:s8], [sflag:s24] =	dma.local [hbm:s6], s22  }
0x17: {  	_ =	swait.ge [sflag:s24], s22  }
0x18: {  	s5 =	ssub.s32 $0x0, s22;
	[sflag:s24] =	ssyncset.done $0x0  }
0x19: {  	[sflag:s24] =	ssyncadd.s32 s5;
	_ =	sdelay $0x1  }
0x1a: {  	s25 =	simm.s32 $0x1B8B  }
0x1b: {  	_ =	swait.ge [sflag:s25], $0x1  }
0x1c: {  	[sflag:s25] =	ssyncset.done $0x0  }
0x1d: {  	s26 =	simm.s32 $0x1B8E;
	[sflag:s25] =	ssyncadd.s32 $0xFFFFFFFF  }
0x1e: {  	s27 =	simm.s32 $execute0_lowered;
	[smem:$0x3FD2] =	sst s26  }
0x1f: {  	s5 =	sshll.u32 s27, $0x1;
	_ =	strace $0x80000046;
	[dreg:$0x1] =	wrdreg $0xFFFFFFFF  }
0x20: {  	s28 =	simm.s32 $_size_execute0_lowered;
	s4 =	sadd.s32 s4, s5;
	[dreg:$0x0] =	wrdreg $0x0  }
0x21: {  	s5 =	sshll.u32 s28, $0x1;
	[dreg:$0x2] =	wrdreg s4  }
0x22: {  	[dreg:$0x3] =	wrdreg s5  }
0x23: {  	[dreg:$0x4] =	wrdreg $0xC0  }
0x24: {  	_ =	task [dreg:s8], $0x5FFFF  }
0x25: {  	[dreg:$0x1] =	wrdreg $0xFFFFFFFF  }
0x26: {  	[dreg:$0x0] =	wrdreg $0x60  }
0x27: {  	[dreg:$0x2] =	wrdreg s2  }
0x28: {  	[dreg:$0x3] =	wrdreg s20  }
0x29: {  	[dreg:$0x4] =	wrdreg $0x9  }
0x2a: {  	_ =	task.clear_ibuf [dreg:s8], $0x5FFFF;
	_ =	strace $0x90000046  }
0x2b: {  	s29 =	simm.s32 $0x9;
	_ =	strace $0x80000048  }
0x2c: {  	_ =	swait.ge [sflag:s29], $0x1  }
0x2d: {  	[sflag:s29] =	ssyncadd.s32 $0xFFFFFFFF  }
0x2e: {  	_ =	strace $0x90000048  }
0x2f: {  	_ =	sfence  }
0x30: {  	s30 =	sld [smem:$0x0];
	_ =	sdelay $0x2  }
0x31: {  	s31 =	sshll.u32 s1, $0xD;
	s1 =	sshrl.u32 s1, $0x2  }
0x32: {  	s3 =	sand.u32 $0x4000, s31;
	s1 =	sadd.s32 s1, s30  }
0x33: {  	s0 =	sor.u32 s3, s0;
	s1 =	sshll.u32 s1, $0x11  }
0x34: {  	s0 =	sor.u32 s1, s0  }
0x35: {  	s0 =	sadd.s32 $0x8F2B, s0  }
0x36: {  	[sflag:s0] =	ssyncadd.remote.s32 $0x1  }
0x37: {  	_ =	sfence.sel $0xFFFF  }
0x38: {  	[dreg:$0x0] =	wrdreg $0xFFFFFFFF;
	(pc) =	sbr.abs _section_cstart, $3  }
0x39: {  	[dreg:$0x1] =	wrdreg $0xFFFFFFFF  }
0x3a: {  	_ =	task.clear_ibuf [dreg:s8], $0x2FFFF;
	_ =	strace $0x9FFFFFFF  }
0x3b: {  	(tm) =	ssettm $0x7FFFFFFF  }
tec
execute0_lowered:
.L_overlay_start_1:
0x0: {  	(tag) =	ssettag $0x1  }
0x1: {  	s0 =	srdreg.scid  }
0x2: {  	s1 =	sshll.u32 s0, $0x4  }
0x3: {  	s2 =	rddreg [dreg:$0x0];
	s0 =	stileid.u32;
	s1 =	sand.u32 $0x10, s1  }
0x4: {  	s4 =	rddreg [dreg:$0x1];
	s1 =	sor.u32 s0, s1  }
0x5: {  	s7 =	simm.s32 $0x1;
	s8 =	simm.s32 $0x2;
	s3 =	sshll.u32 s1, $0x1  }
0x6: {  	s9 =	simm.s32 $0x0;
	s12 =	simm.s32 $0x0;
	s6 =	ssub.s32 $0x800, s3  }
.Ltmp0:
0x7: {  	s11 =	simm.s32 $0x0;
	s5 =	sand.u32 $0x3E, s6;
	(pc) =	sbr.rel .LBB1_1-.Ltmp0, $4  }
0x8: {  	s1 =	rddreg [dreg:$0x2];
	_ =	strace $0x80000047;
	p0 =	sne.s32 s5, $0x0  }
0x9: {  	s6 =	sshrl.u32 s6, $0x6;
	s5 =	simm.s32 $0x1;
	s7 =	simm.s32 @!p0 $0x0  }
0xa: {  	s10 =	smov.u32 s3;
	[sflag:s5] =	ssyncpa.u1 $0x0;
	s6 =	sadd.s32 s7, s6  }
0xb: {  	[sflag:s8] =	ssyncpa.u1 $0x0;
	s8 =	simm.s32 $0x0;
	s7 =	sadd.s32 $0x1, s6  }
.LBB1_9:
0xc: {  	s14 =	sadd.s32 $0x40, s10  }
0xd: {  	p1 =	sgt.s32 s14, $0x7FF  }
0xe: {  	s14 =	smov.u32 @p1 s3;
	p1 =	sne.s32 s11, s7  }
.Ltmp1:
0xf: {  	p0 =	slt.u32 s11, $0x2;
	(pc) =	sbr.rel @!p1 .LBB1_10-.Ltmp1, $4  }
0x10: {  	s13 =	simm.s32 @!p0 $0x2  }
0x11: {  	s15 =	sadd.s32 $0x1, s11;
	_ =	swait.ge @!p0 [sflag:s13], $0x4000  }
0x12: {  	s12 =	smov.u32 s10;
	s9 =	sadd.s32 $0x4000, s9;
	[sflag:s13] =	ssyncset.done @!p0 $0x0  }
0x13: {  	s11 =	smov.u32 s15;
	s10 =	smov.u32 s14;
	[sflag:s13] =	ssyncadd.s32 @!p0 $0xFFFFC000  }
.LBB1_1:
0x14: {  	p0 =	sge.u32 s11, s6  }
0x15: {  	s13 =	sxor.u32 @!p0 $0xFFFFFFFF, s11  }
0x16: {  	s31 =	sadd.s32 $0xFFFFFFFF, s11;
	s14 =	sshll.u32 @!p0 s10, $0xA;
	s13 =	sshll.u32 @!p0 s13, $0xE  }
0x17: {  	s15 =	simm.s32 @!p0 $0x0;
	s14 =	sadd.s32 @!p0 s2, s14;
	s13 =	sand.u32 @!p0 $0x4000, s13  }
0x18: {  	[tilespmem:s13], [sflag:$0x1] =	stream.linear.gather @!p0 [hbm4b:s14+s15], $0x4000, $0x38;
	[tilespmem:$0x10000] =	vst v63  }
0x19: {  	p0 =	sge.u32 s31, s6  }
.Ltmp2:
0x1a: {  	_ = 	snop;
	(pc) =	sbr.rel @p0 .LBB1_9-.Ltmp2, $1  }
0x1b: {  	_ =	sdelay $0x3  }
0x1c: {  	s13 =	sshll.u32 s9, $0x2  }
0x1d: {  	_ =	swait.ge [sflag:s5], $0x4000;
	s14 =	sshll.u32 s11, $0xE;
	s16 =	simm.s32 $0x0  }
0x1e: {  	p1 =	por $0x1, $0x1;
	s13 =	sand.u32 $0x10000, s13;
	[sflag:s5] =	ssyncset.done $0x0  }
0x1f: {  	s14 =	sand.u32 $0x4000, s14;
	s15 =	sshrl.u32 s13, $0x2;
	[sflag:s5] =	ssyncadd.s32 $0xFFFFC000  }
0x20: {  	s13 =	sor.u32 $0x8000, s14;
	s14 =	sadd.s32 $0x8040, s15;
	s15 =	sadd.s32 $0x40, s15  }
.LBB1_3:
0x21: {  	s16 =	sshll.u32 s16, $0x2  }
0x22: {  	p0 =	por p1, p1;
	s17 =	sshra.s32 s16, $0x2  }
0x23: {  	s18 =	simm.s32 $0x0;
	s16 =	sadd.s32 s17, s14;
	s17 =	sadd.s32 s17, s15  }
.LBB1_4:
0x24: {  	v0 =	vmov s17;
	_ =	sdelay $0x3  }
0x25: {  	s20 =	simm.s32 $0x0  }
0x26: {  	v6 =	vld.idx.msk [tilespmem:v0+s20+$0x30 ss:$0x1], $0xffff  }
0x27: {  	v7 =	vld.idx.msk [tilespmem:v0+s20+$0xFFFFFFC0 ss:$0x1], $0xffff  }
0x28: {  	v5 =	vld.idx.msk [tilespmem:v0+s20+$0xFFFFFFD0 ss:$0x1], $0xffff  }
0x29: {  	v4 =	vld.idx.msk [tilespmem:v0+s20+$0xFFFFFFE0 ss:$0x1], $0xffff  }
0x2a: {  	v3 =	vld.idx.msk [tilespmem:v0+s20+$0xFFFFFFF0 ss:$0x1], $0xffff  }
0x2b: {  	v1 =	vld.idx.msk [tilespmem:v0+s20+$0x0 ss:$0x1], $0xffff  }
0x2c: {  	v2 =	vld.idx.msk [tilespmem:v0+s20+$0x10 ss:$0x1], $0xffff;
	[tilespmem:s16+$0x30] =	vst v6  }
0x2d: {  	s19 =	simm.s32 $0x80;
	s21 =	simm.s32 $0x400;
	[tilespmem:s16+$0xFFFFFFC0] =	vst v7;
	v6 =	vld.idx.msk [tilespmem:v0+s20+$0x20 ss:$0x1], $0xffff;
	s20 =	smov.u32 s16  }
.LBB1_5:
0x2e: {  	p1 =	sne.s32 s21, $0xE00;
	v7 =	vld.idx.msk [tilespmem:v0+s19+$0x30 ss:$0x1], $0xffff;
	[tilespmem:s20+$0xFFFFFFD0] =	vst v5  }
0x2f: {  	v8 =	vld.idx.msk [tilespmem:v0+s19+$0xFFFFFFC0 ss:$0x1], $0xffff;
	[tilespmem:s20+$0xFFFFFFE0] =	vst v4  }
0x30: {  	v5 =	vld.idx.msk [tilespmem:v0+s19+$0xFFFFFFD0 ss:$0x1], $0xffff;
	[tilespmem:s20+$0xFFFFFFF0] =	vst v3  }
.Ltmp3:
0x31: {  	v4 =	vld.idx.msk [tilespmem:v0+s19+$0xFFFFFFE0 ss:$0x1], $0xffff;
	[tilespmem:s20+$0x0] =	vst v1;
	(pc) =	sbr.rel @p1 .LBB1_5-.Ltmp3, $4  }
0x32: {  	v3 =	vld.idx.msk [tilespmem:v0+s19+$0xFFFFFFF0 ss:$0x1], $0xffff;
	[tilespmem:s20+$0x10] =	vst v2  }
0x33: {  	v1 =	vld.idx.msk [tilespmem:v0+s19+$0x0 ss:$0x1], $0xffff;
	[tilespmem:s20+$0x20] =	vst v6;
	s20 =	sadd.s32 $0x400, s20  }
0x34: {  	v2 =	vld.idx.msk [tilespmem:v0+s19+$0x10 ss:$0x1], $0xffff;
	[tilespmem:s20+$0x30] =	vst v7  }
0x35: {  	[tilespmem:s20+$0xFFFFFFC0] =	vst v8;
	v6 =	vld.idx.msk [tilespmem:v0+s19+$0x20 ss:$0x1], $0xffff;
	s19 =	sshra.s32 s21, $0x2;
	s21 =	sadd.s32 $0x200, s21  }
0x36: {  	_ =	sdelay $0x2  }
0x37: {  	[tilespmem:s20+$0xFFFFFFD0] =	vst v5  }
0x38: {  	v56 =	vld.idx.msk [tilespmem:v0+s19+$0x30 ss:$0x1], $0xffff;
	[tilespmem:s20+$0xFFFFFFE0] =	vst v4  }
0x39: {  	v57 =	vld.idx.msk [tilespmem:v0+s19+$0xFFFFFFC0 ss:$0x1], $0xffff;
	[tilespmem:s20+$0xFFFFFFF0] =	vst v3  }
0x3a: {  	v58 =	vld.idx.msk [tilespmem:v0+s19+$0xFFFFFFD0 ss:$0x1], $0xffff;
	[tilespmem:s20+$0x0] =	vst v1  }
0x3b: {  	v59 =	vld.idx.msk [tilespmem:v0+s19+$0xFFFFFFE0 ss:$0x1], $0xffff;
	[tilespmem:s20+$0x10] =	vst v2  }
0x3c: {  	v60 =	vld.idx.msk [tilespmem:v0+s19+$0xFFFFFFF0 ss:$0x1], $0xffff;
	s31 =	sadd.s32 $0x400, s20;
	[tilespmem:s20+$0x20] =	vst v6  }
0x3d: {  	v61 =	vld.idx.msk [tilespmem:v0+s19+$0x0 ss:$0x1], $0xffff;
	[tilespmem:s31+$0x30] =	vst v56  }
0x3e: {  	v62 =	vld.idx.msk [tilespmem:v0+s19+$0x10 ss:$0x1], $0xffff;
	s18 =	sadd.s32 $0x1, s18;
	[tilespmem:s31+$0xFFFFFFC0] =	vst v57  }
0x3f: {  	v63 =	vld.idx.msk [tilespmem:v0+s19+$0x20 ss:$0x1], $0xffff;
	p1 =	sne.s32 s18, $0x8;
	[tilespmem:s31+$0xFFFFFFD0] =	vst v58  }
.Ltmp4:
0x40: {  	[tilespmem:s31+$0xFFFFFFE0] =	vst v59;
	(pc) =	sbr.rel @p1 .LBB1_4-.Ltmp4, $4  }
0x41: {  	[tilespmem:s31+$0xFFFFFFF0] =	vst v60  }
0x42: {  	[tilespmem:s31+$0x0] =	vst v61  }
0x43: {  	[tilespmem:s31+$0x10] =	vst v62  }
0x44: {  	s16 =	sadd.s32 $0x80, s16;
	s17 =	sadd.s32 $0x400, s17;
	[tilespmem:s31+$0x20] =	vst v63  }
.Ltmp5:
0x45: {  	(pc) =	sbr.rel @p0 .LBB1_3-.Ltmp5, $2  }
0x46: {  	_ =	sdelay $0x2  }
0x47: {  	s16 =	simm.s32 $0x2000;
	p1 =	por $0x0, $0x0  }
.Ltmp6:
0x48: {  	(pc) =	sbr.rel .LBB1_9-.Ltmp6, $4  }
0x49: {  	_ = 	snop  }
0x4a: {  	s12 =	sshll.u32 s12, $0xA  }
0x4b: {  	s12 =	sadd.s32 s4, s12  }
0x4c: {  	[hbm4b:s12+s8] =	stream.linear.scatter [tilespmem:s13], [sflag:$0x2], $0x4000, $0x38;
	[tilespmem:$0x10000] =	vst v63  }
.LBB1_10:
0x4d: {  	_ =	sfence.sel $0x180000  }
0x4e: {  	s2 =	simm.s32 $0x1;
	[bflag:$0x0] =	sbarrier.arrive $0xFFFF  }
0x4f: {  	s31 =	simm.s32 $0x2;
	[sflag:s2] =	ssyncpa.u1 $0x1  }
0x50: {  	[sflag:s31] =	ssyncpa.u1 $0x1  }
0x51: {  	p0 =	sne.s32 s0, $0x0;
	_ =	strace $0x90000047  }
0x52: {  	s0 =	sadd.s32 @!p0 $0x100000, s1;
	[bflag:$0x2] =	sbarrier.arrive $0xFFFF  }
0x53: {  	[sflag:s0] =	ssyncadd.tile.s32 @!p0 $0x1;
	_ =	shalt  }
.Lfunc_end1:
_tile_overlayer_lowered:
.L_overlay_start_2:
0x54: {  	(tag) =	ssettag $0x2  }
0x55: {  	s0 =	rddreg [dreg:$0x0];
	s2 =	stileid.u32  }
0x56: {  	s1 =	rddreg [dreg:$0x1];
	p0 =	sne.s32 s2, $0x0  }
0x57: {  	s3 =	rddreg [dreg:$0x2];
	[bflag:$0x3] =	sbarrier.arrive $0xFFFF;
	s2 =	simm.s32 @!p0 $0x1C01  }
0x58: {  	[timem:s3], [sflag:s2] =	dma.local @!p0 [hbm:s0], s1  }
0x59: {  	s0 =	simm.s32 @!p0 $0x1  }
0x5a: {  	_ =	swait.ge @!p0 [sflag:s0], s1  }
0x5b: {  	s1 =	ssub.s32 @!p0 $0x0, s1;
	[sflag:s0] =	ssyncset.done @!p0 $0x0  }
0x5c: {  	[sflag:s0] =	ssyncadd.s32 @!p0 s1  }
0x5d: {  	[bflag:$0x3] =	sbarrier.arrive $0xFFFF  }
0x5e: {  	_ =	shalt  }

</sc_bundles>
